<compile_context>
chip_gen: v7x
topology: tpu7x:2x2x1
jax: 0.10.2.dev20260603
libtpu: 0.0.44.dev20260713+nightly
codegen_flags: <defaults>
</compile_context>

<pallas_src>
import functools

import jax
import jax.numpy as jnp
from jax import lax
from jax.experimental import pallas as pl
from jax.experimental.pallas import tpu as pltpu
from jax.experimental.pallas import tpu_sc as plsc

N_NODES = 10000
N_EDGES = 160000
IN_DIM = 500
HID = 8

NC = 2
NS = 16
NW = NC * NS

CHUNK = 1000
NCHUNK = 5
EPW = CHUNK * NCHUNK
NPAD = 10112
SLAB = NPAD // NS
NROW128 = NPAD * HID // 128


def _tc_linear_body(xt_ref, w_ref, b_ref, o_ref):
    o_ref[: xt_ref.shape[1], :] = (
        lax.dot_general(
            xt_ref[...], w_ref[...],
            dimension_numbers=(((0,), (0,)), ((), ())),
            preferred_element_type=jnp.float32,
        )
        + b_ref[...]
    )


def _tc_linear(xt, w, b):
    return pl.pallas_call(
        _tc_linear_body,
        out_shape=jax.ShapeDtypeStruct((NPAD, HID), jnp.float32),
    )(xt, w, b)


def _tc_combine_linear_body(p_ref, w_ref, b_ref, o_ref):
    h = jnp.maximum(p_ref[0] + p_ref[1], 0.0)
    o_ref[...] = (
        jnp.dot(h, w_ref[...], preferred_element_type=jnp.float32) + b_ref[...]
    )


def _tc_combine_linear(p, w, b):
    return pl.pallas_call(
        _tc_combine_linear_body,
        out_shape=jax.ShapeDtypeStruct((NROW128, 128), jnp.float32),
    )(p, w, b)


def _tc_combine_body(p_ref, o_ref):
    o_ref[...] = p_ref[0] + p_ref[1]


def _tc_combine(p):
    return pl.pallas_call(
        _tc_combine_body,
        out_shape=jax.ShapeDtypeStruct((NROW128, 128), jnp.float32),
    )(p)


def _sc_agg_body(table_hbm, edges_hbm, zeros_hbm, out_hbm,
                 acc_sp, src_v, dst_v, chunk_v, sem_g, sem_s):
    c = lax.axis_index("c")
    s = lax.axis_index("s")
    wid = c * NS + s
    slab = pl.ds(s * SLAB, SLAB)

    pltpu.sync_copy(edges_hbm.at[0].at[wid], src_v)
    pltpu.sync_copy(edges_hbm.at[1].at[wid], dst_v)
    for j in range(NCHUNK):
        pltpu.async_copy(table_hbm.at[src_v.at[j]], chunk_v.at[j], sem_g)
    pltpu.sync_copy(zeros_hbm.at[slab], acc_sp.at[slab])
    plsc.subcore_barrier()

    for j in range(NCHUNK):
        pltpu.make_async_copy(table_hbm.at[src_v.at[j]], chunk_v.at[j],
                              sem_g).wait()
        pltpu.async_copy(chunk_v.at[j], acc_sp.at[dst_v.at[j]], sem_s,
                         add=True)
    for j in range(NCHUNK):
        pltpu.make_async_copy(chunk_v.at[j], acc_sp.at[dst_v.at[j]],
                              sem_s).wait()
    plsc.subcore_barrier()

    pltpu.sync_copy(acc_sp.at[slab], out_hbm.at[c].at[slab])


_sc_agg = functools.partial(
    pl.kernel,
    out_type=jax.ShapeDtypeStruct((NC, NPAD, HID), jnp.float32),
    mesh=plsc.VectorSubcoreMesh(
        core_axis_name="c", subcore_axis_name="s", num_cores=NC,
        num_subcores=NS,
    ),
    compiler_params=pltpu.CompilerParams(use_tc_tiling_on_sc=False),
    scratch_types=[
        pltpu.VMEM_SHARED((NPAD, HID), jnp.float32),
        pltpu.VMEM((NCHUNK, CHUNK), jnp.int32),
        pltpu.VMEM((NCHUNK, CHUNK), jnp.int32),
        pltpu.VMEM((NCHUNK, CHUNK, HID), jnp.float32),
        pltpu.SemaphoreType.DMA,
        pltpu.SemaphoreType.DMA,
    ],
)(_sc_agg_body)


def kernel(x, edge_index, W1, b1, W2, b2):
    edges = edge_index.astype(jnp.int32).reshape(2, NW, NCHUNK, CHUNK)

    zeros = jnp.zeros((NPAD, HID), jnp.float32)
    w2p = jnp.pad(W2, ((0, 0), (0, HID - W2.shape[1])))
    w2bd = jnp.kron(jnp.eye(16, dtype=jnp.float32), w2p)
    b1r = b1.reshape(1, HID)
    b2r = jnp.tile(jnp.pad(b2, (0, HID - b2.shape[0])), 16).reshape(1, 128)

    support1 = _tc_linear(x.T, W1, b1r)
    p1 = _sc_agg(support1, edges, zeros)

    p1v = p1.reshape(NC, NROW128, 128)
    support2 = _tc_combine_linear(p1v, w2bd, b2r).reshape(NPAD, HID)
    p2 = _sc_agg(support2, edges, zeros)

    out = _tc_combine(p2.reshape(NC, NROW128, 128)).reshape(NPAD * HID)
    cols = [lax.slice(out, (k,), (k + HID * N_NODES - HID + 1,), (HID,))
            for k in range(W2.shape[1])]
    return jnp.stack(cols, axis=1)

# --- scband reference (transcript-rebuilt; emitter-appended) ---
"""Pipeline reference for scband-method-pubmed-63144609185882 (READ-ONLY COPY).

The authoritative reference and input builder live on the scoring server;
editing this copy changes nothing except your own understanding.
"""

import jax, jax.numpy as jnp
import numpy as np

N_NODES = 10000
N_EDGES = 160000
IN_DIM = 500
HID_DIM = 8
OUT_DIM = 3


def setup_inputs(seed: int = 0) -> dict:
    key = jax.random.key(seed)
    k1, k2, k3, k4, k5, k6 = jax.random.split(key, 6)
    x = jax.random.normal(k1, (N_NODES, IN_DIM), dtype=jnp.float32)
    edge_index = jax.random.randint(k2, (2, N_EDGES), 0, N_NODES)
    W1 = jax.random.normal(k3, (IN_DIM, HID_DIM), dtype=jnp.float32) * 0.05
    b1 = jnp.zeros((HID_DIM,), dtype=jnp.float32)
    W2 = jax.random.normal(k4, (HID_DIM, OUT_DIM), dtype=jnp.float32) * 0.05
    b2 = jnp.zeros((OUT_DIM,), dtype=jnp.float32)
    return {"x": x, "edge_index": edge_index, "W1": W1, "b1": b1, "W2": W2, "b2": b2}


def _graph_conv(x, src, dst, W, b, n_nodes):
    # GraphConvolution: support = x @ W + b ; out = A @ support
    # realized as gather over src + scatter-add into dst
    support = x @ W + b
    msgs = jnp.take(support, src, axis=0)
    out = jax.ops.segment_sum(msgs, dst, num_segments=n_nodes)
    return out


def reference(x, edge_index, W1, b1, W2, b2):
    src = edge_index[0]
    dst = edge_index[1]
    n = x.shape[0]
    h = _graph_conv(x, src, dst, W1, b1, n)
    h = jax.nn.relu(h)  # relu2 applied to conv1 output per forward()
    # dropout is identity at inference (deterministic reference)
    out = _graph_conv(h, src, dst, W2, b2, n)
    return out

if __name__ == "__main__":
    import jax
    _d = setup_inputs()
    print(jax.jit(kernel)(*tuple(_d.values())))

</pallas_src>

<mosaic_0001>
#map = affine_map<(d0, d1) -> (0, 0)>
#map1 = affine_map<(d0, d1) -> (0, 0, 0, 0)>
#map2 = affine_map<(d0, d1) -> (0, 0, 0)>
module attributes {stable_mosaic.version = 14 : i64} {
  func.func @_sc_agg_body(%arg0: i32, %arg1: i32, %arg2: memref<10112x8xf32, #tpu.memory_space<hbm>>, %arg3: memref<2x32x5x1000xi32, #tpu.memory_space<hbm>>, %arg4: memref<10112x8xf32, #tpu.memory_space<hbm>>, %arg5: memref<2x10112x8xf32, #tpu.memory_space<hbm>>, %arg6: memref<10112x8xf32, #tpu.memory_space<vmem_shared>>, %arg7: memref<5x1000xi32, #tpu.memory_space<vmem>>, %arg8: memref<5x1000xi32, #tpu.memory_space<vmem>>, %arg9: memref<5x1000x8xf32, #tpu.memory_space<vmem>>, %arg10: memref<!tpu.dma_semaphore, #tpu.memory_space<semaphore_mem>>, %arg11: memref<!tpu.dma_semaphore, #tpu.memory_space<semaphore_mem>>) attributes {dimension_semantics = [#tpu.dimension_semantics<core_parallel>, #tpu.dimension_semantics<subcore_parallel>], iteration_bounds = array<i64: 2, 16>, scalar_prefetch = 0 : i64, scratch_operands = 6 : i64, tpu.core_type = #tpu.core_type<sc_vector_subcore>, window_params = [{transform_indices = #map}, {transform_indices = #map1}, {transform_indices = #map}, {transform_indices = #map2}]} {
    %mul3A = arith.constant 16 : i32
    %mul3A_0 = arith.muli %arg0, %mul3A : i32
    %add3A = arith.addi %mul3A_0, %arg1 : i32
    %mul3A_1 = arith.constant 632 : i32
    %mul3A_2 = arith.muli %arg1, %mul3A_1 : i32
    %run_scoped3A = arith.constant 0 : i32
    "tpu.region"() ({
      %run_scoped3A_243 = tpu.sem_alloc : memref<!tpu.dma_semaphore, #tpu.memory_space<semaphore_mem>>
      %dma_start3A_244 = arith.constant 0 : i32
      %dma_start3A_245 = arith.constant 0 : i32
      %dma_start3A_246 = arith.constant 0 : i32
      %dma_start3A_247 = tpu.memref_slice %arg3[%run_scoped3A, %dma_start3A_244, %dma_start3A_245, %dma_start3A_246] : memref<2x32x5x1000xi32, #tpu.memory_space<hbm>> -> memref<1x32x5x1000xi32, #tpu.memory_space<hbm>>
      %dma_start3A_248 = tpu.memref_squeeze %dma_start3A_247 : memref<1x32x5x1000xi32, #tpu.memory_space<hbm>> -> memref<32x5x1000xi32, #tpu.memory_space<hbm>>
      %dma_start3A_249 = arith.constant 0 : i32
      %dma_start3A_250 = arith.constant 0 : i32
      %dma_start3A_251 = tpu.memref_slice %dma_start3A_248[%add3A, %dma_start3A_249, %dma_start3A_250] : memref<32x5x1000xi32, #tpu.memory_space<hbm>> -> memref<1x5x1000xi32, #tpu.memory_space<hbm>>
      %dma_start3A_252 = tpu.memref_squeeze %dma_start3A_251 : memref<1x5x1000xi32, #tpu.memory_space<hbm>> -> memref<5x1000xi32, #tpu.memory_space<hbm>>
      %dma_start3A_253 = arith.constant 0 : i32
      %dma_start3A_254 = arith.constant 0 : i32
      %dma_start3A_255 = arith.constant 0 : i32
      %dma_start3A_256 = tpu.memref_slice %arg3[%run_scoped3A, %dma_start3A_253, %dma_start3A_254, %dma_start3A_255] : memref<2x32x5x1000xi32, #tpu.memory_space<hbm>> -> memref<1x32x5x1000xi32, #tpu.memory_space<hbm>>
      %dma_start3A_257 = tpu.memref_squeeze %dma_start3A_256 : memref<1x32x5x1000xi32, #tpu.memory_space<hbm>> -> memref<32x5x1000xi32, #tpu.memory_space<hbm>>
      %dma_start3A_258 = arith.constant 0 : i32
      %dma_start3A_259 = arith.constant 0 : i32
      %dma_start3A_260 = tpu.memref_slice %dma_start3A_257[%add3A, %dma_start3A_258, %dma_start3A_259] : memref<32x5x1000xi32, #tpu.memory_space<hbm>> -> memref<1x5x1000xi32, #tpu.memory_space<hbm>>
      %dma_start3A_261 = tpu.memref_squeeze %dma_start3A_260 : memref<1x5x1000xi32, #tpu.memory_space<hbm>> -> memref<5x1000xi32, #tpu.memory_space<hbm>>
      tpu.enqueue_dma source(%dma_start3A_261 : memref<5x1000xi32, #tpu.memory_space<hbm>>) target(%arg7 : memref<5x1000xi32, #tpu.memory_space<vmem>>) target_semaphore(%run_scoped3A_243 : memref<!tpu.dma_semaphore, #tpu.memory_space<semaphore_mem>>)
      %dma_wait3A_262 = arith.constant 0 : i32
      %dma_wait3A_263 = arith.constant 0 : i32
      %dma_wait3A_264 = arith.constant 0 : i32
      %dma_wait3A_265 = tpu.memref_slice %arg3[%run_scoped3A, %dma_wait3A_262, %dma_wait3A_263, %dma_wait3A_264] : memref<2x32x5x1000xi32, #tpu.memory_space<hbm>> -> memref<1x32x5x1000xi32, #tpu.memory_space<hbm>>
      %dma_wait3A_266 = tpu.memref_squeeze %dma_wait3A_265 : memref<1x32x5x1000xi32, #tpu.memory_space<hbm>> -> memref<32x5x1000xi32, #tpu.memory_space<hbm>>
      %dma_wait3A_267 = arith.constant 0 : i32
      %dma_wait3A_268 = arith.constant 0 : i32
      %dma_wait3A_269 = tpu.memref_slice %dma_wait3A_266[%add3A, %dma_wait3A_267, %dma_wait3A_268] : memref<32x5x1000xi32, #tpu.memory_space<hbm>> -> memref<1x5x1000xi32, #tpu.memory_space<hbm>>
      %dma_wait3A_270 = tpu.memref_squeeze %dma_wait3A_269 : memref<1x5x1000xi32, #tpu.memory_space<hbm>> -> memref<5x1000xi32, #tpu.memory_space<hbm>>
      %dma_wait3A_271 = arith.constant 0 : i32
      %dma_wait3A_272 = arith.constant 0 : i32
      %dma_wait3A_273 = arith.constant 0 : i32
      %dma_wait3A_274 = tpu.memref_slice %arg3[%run_scoped3A, %dma_wait3A_271, %dma_wait3A_272, %dma_wait3A_273] : memref<2x32x5x1000xi32, #tpu.memory_space<hbm>> -> memref<1x32x5x1000xi32, #tpu.memory_space<hbm>>
      %dma_wait3A_275 = tpu.memref_squeeze %dma_wait3A_274 : memref<1x32x5x1000xi32, #tpu.memory_space<hbm>> -> memref<32x5x1000xi32, #tpu.memory_space<hbm>>
      %dma_wait3A_276 = arith.constant 0 : i32
      %dma_wait3A_277 = arith.constant 0 : i32
      %dma_wait3A_278 = tpu.memref_slice %dma_wait3A_275[%add3A, %dma_wait3A_276, %dma_wait3A_277] : memref<32x5x1000xi32, #tpu.memory_space<hbm>> -> memref<1x5x1000xi32, #tpu.memory_space<hbm>>
      %dma_wait3A_279 = tpu.memref_squeeze %dma_wait3A_278 : memref<1x5x1000xi32, #tpu.memory_space<hbm>> -> memref<5x1000xi32, #tpu.memory_space<hbm>>
      tpu.wait_dma2 semaphore(%run_scoped3A_243 : memref<!tpu.dma_semaphore, #tpu.memory_space<semaphore_mem>>) src(%dma_wait3A_279 : memref<5x1000xi32, #tpu.memory_space<hbm>>) dst(%arg7 : memref<5x1000xi32, #tpu.memory_space<vmem>>)
      tpu.yield
    }) : () -> ()
    %run_scoped3A_3 = arith.constant 1 : i32
    "tpu.region"() ({
      %run_scoped3A_243 = tpu.sem_alloc : memref<!tpu.dma_semaphore, #tpu.memory_space<semaphore_mem>>
      %dma_start3A_244 = arith.constant 0 : i32
      %dma_start3A_245 = arith.constant 0 : i32
      %dma_start3A_246 = arith.constant 0 : i32
      %dma_start3A_247 = tpu.memref_slice %arg3[%run_scoped3A_3, %dma_start3A_244, %dma_start3A_245, %dma_start3A_246] : memref<2x32x5x1000xi32, #tpu.memory_space<hbm>> -> memref<1x32x5x1000xi32, #tpu.memory_space<hbm>>
      %dma_start3A_248 = tpu.memref_squeeze %dma_start3A_247 : memref<1x32x5x1000xi32, #tpu.memory_space<hbm>> -> memref<32x5x1000xi32, #tpu.memory_space<hbm>>
      %dma_start3A_249 = arith.constant 0 : i32
      %dma_start3A_250 = arith.constant 0 : i32
      %dma_start3A_251 = tpu.memref_slice %dma_start3A_248[%add3A, %dma_start3A_249, %dma_start3A_250] : memref<32x5x1000xi32, #tpu.memory_space<hbm>> -> memref<1x5x1000xi32, #tpu.memory_space<hbm>>
      %dma_start3A_252 = tpu.memref_squeeze %dma_start3A_251 : memref<1x5x1000xi32, #tpu.memory_space<hbm>> -> memref<5x1000xi32, #tpu.memory_space<hbm>>
      %dma_start3A_253 = arith.constant 0 : i32
      %dma_start3A_254 = arith.constant 0 : i32
      %dma_start3A_255 = arith.constant 0 : i32
      %dma_start3A_256 = tpu.memref_slice %arg3[%run_scoped3A_3, %dma_start3A_253, %dma_start3A_254, %dma_start3A_255] : memref<2x32x5x1000xi32, #tpu.memory_space<hbm>> -> memref<1x32x5x1000xi32, #tpu.memory_space<hbm>>
      %dma_start3A_257 = tpu.memref_squeeze %dma_start3A_256 : memref<1x32x5x1000xi32, #tpu.memory_space<hbm>> -> memref<32x5x1000xi32, #tpu.memory_space<hbm>>
      %dma_start3A_258 = arith.constant 0 : i32
      %dma_start3A_259 = arith.constant 0 : i32
      %dma_start3A_260 = tpu.memref_slice %dma_start3A_257[%add3A, %dma_start3A_258, %dma_start3A_259] : memref<32x5x1000xi32, #tpu.memory_space<hbm>> -> memref<1x5x1000xi32, #tpu.memory_space<hbm>>
      %dma_start3A_261 = tpu.memref_squeeze %dma_start3A_260 : memref<1x5x1000xi32, #tpu.memory_space<hbm>> -> memref<5x1000xi32, #tpu.memory_space<hbm>>
      tpu.enqueue_dma source(%dma_start3A_261 : memref<5x1000xi32, #tpu.memory_space<hbm>>) target(%arg8 : memref<5x1000xi32, #tpu.memory_space<vmem>>) target_semaphore(%run_scoped3A_243 : memref<!tpu.dma_semaphore, #tpu.memory_space<semaphore_mem>>)
      %dma_wait3A_262 = arith.constant 0 : i32
      %dma_wait3A_263 = arith.constant 0 : i32
      %dma_wait3A_264 = arith.constant 0 : i32
      %dma_wait3A_265 = tpu.memref_slice %arg3[%run_scoped3A_3, %dma_wait3A_262, %dma_wait3A_263, %dma_wait3A_264] : memref<2x32x5x1000xi32, #tpu.memory_space<hbm>> -> memref<1x32x5x1000xi32, #tpu.memory_space<hbm>>
      %dma_wait3A_266 = tpu.memref_squeeze %dma_wait3A_265 : memref<1x32x5x1000xi32, #tpu.memory_space<hbm>> -> memref<32x5x1000xi32, #tpu.memory_space<hbm>>
      %dma_wait3A_267 = arith.constant 0 : i32
      %dma_wait3A_268 = arith.constant 0 : i32
      %dma_wait3A_269 = tpu.memref_slice %dma_wait3A_266[%add3A, %dma_wait3A_267, %dma_wait3A_268] : memref<32x5x1000xi32, #tpu.memory_space<hbm>> -> memref<1x5x1000xi32, #tpu.memory_space<hbm>>
      %dma_wait3A_270 = tpu.memref_squeeze %dma_wait3A_269 : memref<1x5x1000xi32, #tpu.memory_space<hbm>> -> memref<5x1000xi32, #tpu.memory_space<hbm>>
      %dma_wait3A_271 = arith.constant 0 : i32
      %dma_wait3A_272 = arith.constant 0 : i32
      %dma_wait3A_273 = arith.constant 0 : i32
      %dma_wait3A_274 = tpu.memref_slice %arg3[%run_scoped3A_3, %dma_wait3A_271, %dma_wait3A_272, %dma_wait3A_273] : memref<2x32x5x1000xi32, #tpu.memory_space<hbm>> -> memref<1x32x5x1000xi32, #tpu.memory_space<hbm>>
      %dma_wait3A_275 = tpu.memref_squeeze %dma_wait3A_274 : memref<1x32x5x1000xi32, #tpu.memory_space<hbm>> -> memref<32x5x1000xi32, #tpu.memory_space<hbm>>
      %dma_wait3A_276 = arith.constant 0 : i32
      %dma_wait3A_277 = arith.constant 0 : i32
      %dma_wait3A_278 = tpu.memref_slice %dma_wait3A_275[%add3A, %dma_wait3A_276, %dma_wait3A_277] : memref<32x5x1000xi32, #tpu.memory_space<hbm>> -> memref<1x5x1000xi32, #tpu.memory_space<hbm>>
      %dma_wait3A_279 = tpu.memref_squeeze %dma_wait3A_278 : memref<1x5x1000xi32, #tpu.memory_space<hbm>> -> memref<5x1000xi32, #tpu.memory_space<hbm>>
      tpu.wait_dma2 semaphore(%run_scoped3A_243 : memref<!tpu.dma_semaphore, #tpu.memory_space<semaphore_mem>>) src(%dma_wait3A_279 : memref<5x1000xi32, #tpu.memory_space<hbm>>) dst(%arg8 : memref<5x1000xi32, #tpu.memory_space<vmem>>)
      tpu.yield
    }) : () -> ()
    %dma_start3A = arith.constant 0 : i32
    %dma_start3A_4 = arith.constant 0 : i32
    %dma_start3A_5 = arith.constant 0 : i32
    %dma_start3A_6 = arith.constant 0 : i32
    %dma_start3A_7 = tpu.memref_slice %arg9[%dma_start3A_4, %dma_start3A_5, %dma_start3A_6] : memref<5x1000x8xf32, #tpu.memory_space<vmem>> -> memref<1x1000x8xf32, #tpu.memory_space<vmem>>
    %dma_start3A_8 = tpu.memref_squeeze %dma_start3A_7 : memref<1x1000x8xf32, #tpu.memory_space<vmem>> -> memref<1000x8xf32, #tpu.memory_space<vmem>>
    %dma_start3A_9 = arith.constant 0 : i32
    %dma_start3A_10 = tpu.memref_slice %arg7[%dma_start3A, %dma_start3A_9] : memref<5x1000xi32, #tpu.memory_space<vmem>> -> memref<1x1000xi32, #tpu.memory_space<vmem>>
    %dma_start3A_11 = tpu.memref_squeeze %dma_start3A_10 : memref<1x1000xi32, #tpu.memory_space<vmem>> -> memref<1000xi32, #tpu.memory_space<vmem>>
    %dma_start3A_12 = arith.constant 0 : i32
    %dma_start3A_13 = arith.constant 0 : i32
    %dma_start3A_14 = tpu.memref_slice %arg2[%dma_start3A_12, %dma_start3A_13] : memref<10112x8xf32, #tpu.memory_space<hbm>> -> memref<10112x8xf32, #tpu.memory_space<hbm>>
    tpu.enqueue_indirect_dma source(%dma_start3A_14 : memref<10112x8xf32, #tpu.memory_space<hbm>>) target(%dma_start3A_8 : memref<1000x8xf32, #tpu.memory_space<vmem>>) offsets(%dma_start3A_11 : memref<1000xi32, #tpu.memory_space<vmem>>) semaphore(%arg10 : memref<!tpu.dma_semaphore, #tpu.memory_space<semaphore_mem>>)
    %dma_start3A_15 = arith.constant 1 : i32
    %dma_start3A_16 = arith.constant 1 : i32
    %dma_start3A_17 = arith.constant 0 : i32
    %dma_start3A_18 = arith.constant 0 : i32
    %dma_start3A_19 = tpu.memref_slice %arg9[%dma_start3A_16, %dma_start3A_17, %dma_start3A_18] : memref<5x1000x8xf32, #tpu.memory_space<vmem>> -> memref<1x1000x8xf32, #tpu.memory_space<vmem>>
    %dma_start3A_20 = tpu.memref_squeeze %dma_start3A_19 : memref<1x1000x8xf32, #tpu.memory_space<vmem>> -> memref<1000x8xf32, #tpu.memory_space<vmem>>
    %dma_start3A_21 = arith.constant 0 : i32
    %dma_start3A_22 = tpu.memref_slice %arg7[%dma_start3A_15, %dma_start3A_21] : memref<5x1000xi32, #tpu.memory_space<vmem>> -> memref<1x1000xi32, #tpu.memory_space<vmem>>
    %dma_start3A_23 = tpu.memref_squeeze %dma_start3A_22 : memref<1x1000xi32, #tpu.memory_space<vmem>> -> memref<1000xi32, #tpu.memory_space<vmem>>
    %dma_start3A_24 = arith.constant 0 : i32
    %dma_start3A_25 = arith.constant 0 : i32
    %dma_start3A_26 = tpu.memref_slice %arg2[%dma_start3A_24, %dma_start3A_25] : memref<10112x8xf32, #tpu.memory_space<hbm>> -> memref<10112x8xf32, #tpu.memory_space<hbm>>
    tpu.enqueue_indirect_dma source(%dma_start3A_26 : memref<10112x8xf32, #tpu.memory_space<hbm>>) target(%dma_start3A_20 : memref<1000x8xf32, #tpu.memory_space<vmem>>) offsets(%dma_start3A_23 : memref<1000xi32, #tpu.memory_space<vmem>>) semaphore(%arg10 : memref<!tpu.dma_semaphore, #tpu.memory_space<semaphore_mem>>)
    %dma_start3A_27 = arith.constant 2 : i32
    %dma_start3A_28 = arith.constant 2 : i32
    %dma_start3A_29 = arith.constant 0 : i32
    %dma_start3A_30 = arith.constant 0 : i32
    %dma_start3A_31 = tpu.memref_slice %arg9[%dma_start3A_28, %dma_start3A_29, %dma_start3A_30] : memref<5x1000x8xf32, #tpu.memory_space<vmem>> -> memref<1x1000x8xf32, #tpu.memory_space<vmem>>
    %dma_start3A_32 = tpu.memref_squeeze %dma_start3A_31 : memref<1x1000x8xf32, #tpu.memory_space<vmem>> -> memref<1000x8xf32, #tpu.memory_space<vmem>>
    %dma_start3A_33 = arith.constant 0 : i32
    %dma_start3A_34 = tpu.memref_slice %arg7[%dma_start3A_27, %dma_start3A_33] : memref<5x1000xi32, #tpu.memory_space<vmem>> -> memref<1x1000xi32, #tpu.memory_space<vmem>>
    %dma_start3A_35 = tpu.memref_squeeze %dma_start3A_34 : memref<1x1000xi32, #tpu.memory_space<vmem>> -> memref<1000xi32, #tpu.memory_space<vmem>>
    %dma_start3A_36 = arith.constant 0 : i32
    %dma_start3A_37 = arith.constant 0 : i32
    %dma_start3A_38 = tpu.memref_slice %arg2[%dma_start3A_36, %dma_start3A_37] : memref<10112x8xf32, #tpu.memory_space<hbm>> -> memref<10112x8xf32, #tpu.memory_space<hbm>>
    tpu.enqueue_indirect_dma source(%dma_start3A_38 : memref<10112x8xf32, #tpu.memory_space<hbm>>) target(%dma_start3A_32 : memref<1000x8xf32, #tpu.memory_space<vmem>>) offsets(%dma_start3A_35 : memref<1000xi32, #tpu.memory_space<vmem>>) semaphore(%arg10 : memref<!tpu.dma_semaphore, #tpu.memory_space<semaphore_mem>>)
    %dma_start3A_39 = arith.constant 3 : i32
    %dma_start3A_40 = arith.constant 3 : i32
    %dma_start3A_41 = arith.constant 0 : i32
    %dma_start3A_42 = arith.constant 0 : i32
    %dma_start3A_43 = tpu.memref_slice %arg9[%dma_start3A_40, %dma_start3A_41, %dma_start3A_42] : memref<5x1000x8xf32, #tpu.memory_space<vmem>> -> memref<1x1000x8xf32, #tpu.memory_space<vmem>>
    %dma_start3A_44 = tpu.memref_squeeze %dma_start3A_43 : memref<1x1000x8xf32, #tpu.memory_space<vmem>> -> memref<1000x8xf32, #tpu.memory_space<vmem>>
    %dma_start3A_45 = arith.constant 0 : i32
    %dma_start3A_46 = tpu.memref_slice %arg7[%dma_start3A_39, %dma_start3A_45] : memref<5x1000xi32, #tpu.memory_space<vmem>> -> memref<1x1000xi32, #tpu.memory_space<vmem>>
    %dma_start3A_47 = tpu.memref_squeeze %dma_start3A_46 : memref<1x1000xi32, #tpu.memory_space<vmem>> -> memref<1000xi32, #tpu.memory_space<vmem>>
    %dma_start3A_48 = arith.constant 0 : i32
    %dma_start3A_49 = arith.constant 0 : i32
    %dma_start3A_50 = tpu.memref_slice %arg2[%dma_start3A_48, %dma_start3A_49] : memref<10112x8xf32, #tpu.memory_space<hbm>> -> memref<10112x8xf32, #tpu.memory_space<hbm>>
    tpu.enqueue_indirect_dma source(%dma_start3A_50 : memref<10112x8xf32, #tpu.memory_space<hbm>>) target(%dma_start3A_44 : memref<1000x8xf32, #tpu.memory_space<vmem>>) offsets(%dma_start3A_47 : memref<1000xi32, #tpu.memory_space<vmem>>) semaphore(%arg10 : memref<!tpu.dma_semaphore, #tpu.memory_space<semaphore_mem>>)
    %dma_start3A_51 = arith.constant 4 : i32
    %dma_start3A_52 = arith.constant 4 : i32
    %dma_start3A_53 = arith.constant 0 : i32
    %dma_start3A_54 = arith.constant 0 : i32
    %dma_start3A_55 = tpu.memref_slice %arg9[%dma_start3A_52, %dma_start3A_53, %dma_start3A_54] : memref<5x1000x8xf32, #tpu.memory_space<vmem>> -> memref<1x1000x8xf32, #tpu.memory_space<vmem>>
    %dma_start3A_56 = tpu.memref_squeeze %dma_start3A_55 : memref<1x1000x8xf32, #tpu.memory_space<vmem>> -> memref<1000x8xf32, #tpu.memory_space<vmem>>
    %dma_start3A_57 = arith.constant 0 : i32
    %dma_start3A_58 = tpu.memref_slice %arg7[%dma_start3A_51, %dma_start3A_57] : memref<5x1000xi32, #tpu.memory_space<vmem>> -> memref<1x1000xi32, #tpu.memory_space<vmem>>
    %dma_start3A_59 = tpu.memref_squeeze %dma_start3A_58 : memref<1x1000xi32, #tpu.memory_space<vmem>> -> memref<1000xi32, #tpu.memory_space<vmem>>
    %dma_start3A_60 = arith.constant 0 : i32
    %dma_start3A_61 = arith.constant 0 : i32
    %dma_start3A_62 = tpu.memref_slice %arg2[%dma_start3A_60, %dma_start3A_61] : memref<10112x8xf32, #tpu.memory_space<hbm>> -> memref<10112x8xf32, #tpu.memory_space<hbm>>
    tpu.enqueue_indirect_dma source(%dma_start3A_62 : memref<10112x8xf32, #tpu.memory_space<hbm>>) target(%dma_start3A_56 : memref<1000x8xf32, #tpu.memory_space<vmem>>) offsets(%dma_start3A_59 : memref<1000xi32, #tpu.memory_space<vmem>>) semaphore(%arg10 : memref<!tpu.dma_semaphore, #tpu.memory_space<semaphore_mem>>)
    "tpu.region"() ({
      %run_scoped3A_243 = tpu.sem_alloc : memref<!tpu.dma_semaphore, #tpu.memory_space<semaphore_mem>>
      %dma_start3A_244 = arith.constant 0 : i32
      %dma_start3A_245 = tpu.memref_slice %arg6[%mul3A_2, %dma_start3A_244] : memref<10112x8xf32, #tpu.memory_space<vmem_shared>> -> memref<632x8xf32, #tpu.memory_space<vmem_shared>>
      %dma_start3A_246 = arith.constant 0 : i32
      %dma_start3A_247 = tpu.memref_slice %arg4[%mul3A_2, %dma_start3A_246] : memref<10112x8xf32, #tpu.memory_space<hbm>> -> memref<632x8xf32, #tpu.memory_space<hbm>>
      tpu.enqueue_dma source(%dma_start3A_247 : memref<632x8xf32, #tpu.memory_space<hbm>>) target(%dma_start3A_245 : memref<632x8xf32, #tpu.memory_space<vmem_shared>>) target_semaphore(%run_scoped3A_243 : memref<!tpu.dma_semaphore, #tpu.memory_space<semaphore_mem>>)
      %dma_wait3A_248 = arith.constant 0 : i32
      %dma_wait3A_249 = tpu.memref_slice %arg6[%mul3A_2, %dma_wait3A_248] : memref<10112x8xf32, #tpu.memory_space<vmem_shared>> -> memref<632x8xf32, #tpu.memory_space<vmem_shared>>
      %dma_wait3A_250 = arith.constant 0 : i32
      %dma_wait3A_251 = tpu.memref_slice %arg4[%mul3A_2, %dma_wait3A_250] : memref<10112x8xf32, #tpu.memory_space<hbm>> -> memref<632x8xf32, #tpu.memory_space<hbm>>
      tpu.wait_dma2 semaphore(%run_scoped3A_243 : memref<!tpu.dma_semaphore, #tpu.memory_space<semaphore_mem>>) src(%dma_wait3A_251 : memref<632x8xf32, #tpu.memory_space<hbm>>) dst(%dma_wait3A_249 : memref<632x8xf32, #tpu.memory_space<vmem_shared>>)
      tpu.yield
    }) : () -> ()
    %barrier3A = arith.constant 0 : index
    tpu.barrier barrier_id(%barrier3A)
    %dma_wait3A = arith.constant 0 : i32
    %dma_wait3A_63 = arith.constant 0 : i32
    %dma_wait3A_64 = arith.constant 0 : i32
    %dma_wait3A_65 = arith.constant 0 : i32
    %dma_wait3A_66 = tpu.memref_slice %arg9[%dma_wait3A_63, %dma_wait3A_64, %dma_wait3A_65] : memref<5x1000x8xf32, #tpu.memory_space<vmem>> -> memref<1x1000x8xf32, #tpu.memory_space<vmem>>
    %dma_wait3A_67 = tpu.memref_squeeze %dma_wait3A_66 : memref<1x1000x8xf32, #tpu.memory_space<vmem>> -> memref<1000x8xf32, #tpu.memory_space<vmem>>
    %dma_wait3A_68 = arith.constant 0 : i32
    %dma_wait3A_69 = tpu.memref_slice %arg7[%dma_wait3A, %dma_wait3A_68] : memref<5x1000xi32, #tpu.memory_space<vmem>> -> memref<1x1000xi32, #tpu.memory_space<vmem>>
    %dma_wait3A_70 = tpu.memref_squeeze %dma_wait3A_69 : memref<1x1000xi32, #tpu.memory_space<vmem>> -> memref<1000xi32, #tpu.memory_space<vmem>>
    %dma_wait3A_71 = arith.constant 0 : i32
    %dma_wait3A_72 = arith.constant 0 : i32
    %dma_wait3A_73 = tpu.memref_slice %arg2[%dma_wait3A_71, %dma_wait3A_72] : memref<10112x8xf32, #tpu.memory_space<hbm>> -> memref<10112x8xf32, #tpu.memory_space<hbm>>
    tpu.wait_indirect_dma semaphore(%arg10 : memref<!tpu.dma_semaphore, #tpu.memory_space<semaphore_mem>>) src(%dma_wait3A_73 : memref<10112x8xf32, #tpu.memory_space<hbm>>) dst(%dma_wait3A_67 : memref<1000x8xf32, #tpu.memory_space<vmem>>)
    %dma_start3A_74 = arith.constant 0 : i32
    %dma_start3A_75 = arith.constant 0 : i32
    %dma_start3A_76 = arith.constant 0 : i32
    %dma_start3A_77 = arith.constant 0 : i32
    %dma_start3A_78 = tpu.memref_slice %arg9[%dma_start3A_74, %dma_start3A_76, %dma_start3A_77] : memref<5x1000x8xf32, #tpu.memory_space<vmem>> -> memref<1x1000x8xf32, #tpu.memory_space<vmem>>
    %dma_start3A_79 = tpu.memref_squeeze %dma_start3A_78 : memref<1x1000x8xf32, #tpu.memory_space<vmem>> -> memref<1000x8xf32, #tpu.memory_space<vmem>>
    %dma_start3A_80 = arith.constant 0 : i32
    %dma_start3A_81 = tpu.memref_slice %arg8[%dma_start3A_75, %dma_start3A_80] : memref<5x1000xi32, #tpu.memory_space<vmem>> -> memref<1x1000xi32, #tpu.memory_space<vmem>>
    %dma_start3A_82 = tpu.memref_squeeze %dma_start3A_81 : memref<1x1000xi32, #tpu.memory_space<vmem>> -> memref<1000xi32, #tpu.memory_space<vmem>>
    %dma_start3A_83 = arith.constant 0 : i32
    %dma_start3A_84 = arith.constant 0 : i32
    %dma_start3A_85 = tpu.memref_slice %arg6[%dma_start3A_83, %dma_start3A_84] : memref<10112x8xf32, #tpu.memory_space<vmem_shared>> -> memref<10112x8xf32, #tpu.memory_space<vmem_shared>>
    tpu.enqueue_indirect_dma source(%dma_start3A_79 : memref<1000x8xf32, #tpu.memory_space<vmem>>) target(%dma_start3A_85 : memref<10112x8xf32, #tpu.memory_space<vmem_shared>>) offsets(%dma_start3A_82 : memref<1000xi32, #tpu.memory_space<vmem>>) semaphore(%arg11 : memref<!tpu.dma_semaphore, #tpu.memory_space<semaphore_mem>>) {add = true}
    %dma_wait3A_86 = arith.constant 1 : i32
    %dma_wait3A_87 = arith.constant 1 : i32
    %dma_wait3A_88 = arith.constant 0 : i32
    %dma_wait3A_89 = arith.constant 0 : i32
    %dma_wait3A_90 = tpu.memref_slice %arg9[%dma_wait3A_87, %dma_wait3A_88, %dma_wait3A_89] : memref<5x1000x8xf32, #tpu.memory_space<vmem>> -> memref<1x1000x8xf32, #tpu.memory_space<vmem>>
    %dma_wait3A_91 = tpu.memref_squeeze %dma_wait3A_90 : memref<1x1000x8xf32, #tpu.memory_space<vmem>> -> memref<1000x8xf32, #tpu.memory_space<vmem>>
    %dma_wait3A_92 = arith.constant 0 : i32
    %dma_wait3A_93 = tpu.memref_slice %arg7[%dma_wait3A_86, %dma_wait3A_92] : memref<5x1000xi32, #tpu.memory_space<vmem>> -> memref<1x1000xi32, #tpu.memory_space<vmem>>
    %dma_wait3A_94 = tpu.memref_squeeze %dma_wait3A_93 : memref<1x1000xi32, #tpu.memory_space<vmem>> -> memref<1000xi32, #tpu.memory_space<vmem>>
    %dma_wait3A_95 = arith.constant 0 : i32
    %dma_wait3A_96 = arith.constant 0 : i32
    %dma_wait3A_97 = tpu.memref_slice %arg2[%dma_wait3A_95, %dma_wait3A_96] : memref<10112x8xf32, #tpu.memory_space<hbm>> -> memref<10112x8xf32, #tpu.memory_space<hbm>>
    tpu.wait_indirect_dma semaphore(%arg10 : memref<!tpu.dma_semaphore, #tpu.memory_space<semaphore_mem>>) src(%dma_wait3A_97 : memref<10112x8xf32, #tpu.memory_space<hbm>>) dst(%dma_wait3A_91 : memref<1000x8xf32, #tpu.memory_space<vmem>>)
    %dma_start3A_98 = arith.constant 1 : i32
    %dma_start3A_99 = arith.constant 1 : i32
    %dma_start3A_100 = arith.constant 0 : i32
    %dma_start3A_101 = arith.constant 0 : i32
    %dma_start3A_102 = tpu.memref_slice %arg9[%dma_start3A_98, %dma_start3A_100, %dma_start3A_101] : memref<5x1000x8xf32, #tpu.memory_space<vmem>> -> memref<1x1000x8xf32, #tpu.memory_space<vmem>>
    %dma_start3A_103 = tpu.memref_squeeze %dma_start3A_102 : memref<1x1000x8xf32, #tpu.memory_space<vmem>> -> memref<1000x8xf32, #tpu.memory_space<vmem>>
    %dma_start3A_104 = arith.constant 0 : i32
    %dma_start3A_105 = tpu.memref_slice %arg8[%dma_start3A_99, %dma_start3A_104] : memref<5x1000xi32, #tpu.memory_space<vmem>> -> memref<1x1000xi32, #tpu.memory_space<vmem>>
    %dma_start3A_106 = tpu.memref_squeeze %dma_start3A_105 : memref<1x1000xi32, #tpu.memory_space<vmem>> -> memref<1000xi32, #tpu.memory_space<vmem>>
    %dma_start3A_107 = arith.constant 0 : i32
    %dma_start3A_108 = arith.constant 0 : i32
    %dma_start3A_109 = tpu.memref_slice %arg6[%dma_start3A_107, %dma_start3A_108] : memref<10112x8xf32, #tpu.memory_space<vmem_shared>> -> memref<10112x8xf32, #tpu.memory_space<vmem_shared>>
    tpu.enqueue_indirect_dma source(%dma_start3A_103 : memref<1000x8xf32, #tpu.memory_space<vmem>>) target(%dma_start3A_109 : memref<10112x8xf32, #tpu.memory_space<vmem_shared>>) offsets(%dma_start3A_106 : memref<1000xi32, #tpu.memory_space<vmem>>) semaphore(%arg11 : memref<!tpu.dma_semaphore, #tpu.memory_space<semaphore_mem>>) {add = true}
    %dma_wait3A_110 = arith.constant 2 : i32
    %dma_wait3A_111 = arith.constant 2 : i32
    %dma_wait3A_112 = arith.constant 0 : i32
    %dma_wait3A_113 = arith.constant 0 : i32
    %dma_wait3A_114 = tpu.memref_slice %arg9[%dma_wait3A_111, %dma_wait3A_112, %dma_wait3A_113] : memref<5x1000x8xf32, #tpu.memory_space<vmem>> -> memref<1x1000x8xf32, #tpu.memory_space<vmem>>
    %dma_wait3A_115 = tpu.memref_squeeze %dma_wait3A_114 : memref<1x1000x8xf32, #tpu.memory_space<vmem>> -> memref<1000x8xf32, #tpu.memory_space<vmem>>
    %dma_wait3A_116 = arith.constant 0 : i32
    %dma_wait3A_117 = tpu.memref_slice %arg7[%dma_wait3A_110, %dma_wait3A_116] : memref<5x1000xi32, #tpu.memory_space<vmem>> -> memref<1x1000xi32, #tpu.memory_space<vmem>>
    %dma_wait3A_118 = tpu.memref_squeeze %dma_wait3A_117 : memref<1x1000xi32, #tpu.memory_space<vmem>> -> memref<1000xi32, #tpu.memory_space<vmem>>
    %dma_wait3A_119 = arith.constant 0 : i32
    %dma_wait3A_120 = arith.constant 0 : i32
    %dma_wait3A_121 = tpu.memref_slice %arg2[%dma_wait3A_119, %dma_wait3A_120] : memref<10112x8xf32, #tpu.memory_space<hbm>> -> memref<10112x8xf32, #tpu.memory_space<hbm>>
    tpu.wait_indirect_dma semaphore(%arg10 : memref<!tpu.dma_semaphore, #tpu.memory_space<semaphore_mem>>) src(%dma_wait3A_121 : memref<10112x8xf32, #tpu.memory_space<hbm>>) dst(%dma_wait3A_115 : memref<1000x8xf32, #tpu.memory_space<vmem>>)
    %dma_start3A_122 = arith.constant 2 : i32
    %dma_start3A_123 = arith.constant 2 : i32
    %dma_start3A_124 = arith.constant 0 : i32
    %dma_start3A_125 = arith.constant 0 : i32
    %dma_start3A_126 = tpu.memref_slice %arg9[%dma_start3A_122, %dma_start3A_124, %dma_start3A_125] : memref<5x1000x8xf32, #tpu.memory_space<vmem>> -> memref<1x1000x8xf32, #tpu.memory_space<vmem>>
    %dma_start3A_127 = tpu.memref_squeeze %dma_start3A_126 : memref<1x1000x8xf32, #tpu.memory_space<vmem>> -> memref<1000x8xf32, #tpu.memory_space<vmem>>
    %dma_start3A_128 = arith.constant 0 : i32
    %dma_start3A_129 = tpu.memref_slice %arg8[%dma_start3A_123, %dma_start3A_128] : memref<5x1000xi32, #tpu.memory_space<vmem>> -> memref<1x1000xi32, #tpu.memory_space<vmem>>
    %dma_start3A_130 = tpu.memref_squeeze %dma_start3A_129 : memref<1x1000xi32, #tpu.memory_space<vmem>> -> memref<1000xi32, #tpu.memory_space<vmem>>
    %dma_start3A_131 = arith.constant 0 : i32
    %dma_start3A_132 = arith.constant 0 : i32
    %dma_start3A_133 = tpu.memref_slice %arg6[%dma_start3A_131, %dma_start3A_132] : memref<10112x8xf32, #tpu.memory_space<vmem_shared>> -> memref<10112x8xf32, #tpu.memory_space<vmem_shared>>
    tpu.enqueue_indirect_dma source(%dma_start3A_127 : memref<1000x8xf32, #tpu.memory_space<vmem>>) target(%dma_start3A_133 : memref<10112x8xf32, #tpu.memory_space<vmem_shared>>) offsets(%dma_start3A_130 : memref<1000xi32, #tpu.memory_space<vmem>>) semaphore(%arg11 : memref<!tpu.dma_semaphore, #tpu.memory_space<semaphore_mem>>) {add = true}
    %dma_wait3A_134 = arith.constant 3 : i32
    %dma_wait3A_135 = arith.constant 3 : i32
    %dma_wait3A_136 = arith.constant 0 : i32
    %dma_wait3A_137 = arith.constant 0 : i32
    %dma_wait3A_138 = tpu.memref_slice %arg9[%dma_wait3A_135, %dma_wait3A_136, %dma_wait3A_137] : memref<5x1000x8xf32, #tpu.memory_space<vmem>> -> memref<1x1000x8xf32, #tpu.memory_space<vmem>>
    %dma_wait3A_139 = tpu.memref_squeeze %dma_wait3A_138 : memref<1x1000x8xf32, #tpu.memory_space<vmem>> -> memref<1000x8xf32, #tpu.memory_space<vmem>>
    %dma_wait3A_140 = arith.constant 0 : i32
    %dma_wait3A_141 = tpu.memref_slice %arg7[%dma_wait3A_134, %dma_wait3A_140] : memref<5x1000xi32, #tpu.memory_space<vmem>> -> memref<1x1000xi32, #tpu.memory_space<vmem>>
    %dma_wait3A_142 = tpu.memref_squeeze %dma_wait3A_141 : memref<1x1000xi32, #tpu.memory_space<vmem>> -> memref<1000xi32, #tpu.memory_space<vmem>>
    %dma_wait3A_143 = arith.constant 0 : i32
    %dma_wait3A_144 = arith.constant 0 : i32
    %dma_wait3A_145 = tpu.memref_slice %arg2[%dma_wait3A_143, %dma_wait3A_144] : memref<10112x8xf32, #tpu.memory_space<hbm>> -> memref<10112x8xf32, #tpu.memory_space<hbm>>
    tpu.wait_indirect_dma semaphore(%arg10 : memref<!tpu.dma_semaphore, #tpu.memory_space<semaphore_mem>>) src(%dma_wait3A_145 : memref<10112x8xf32, #tpu.memory_space<hbm>>) dst(%dma_wait3A_139 : memref<1000x8xf32, #tpu.memory_space<vmem>>)
    %dma_start3A_146 = arith.constant 3 : i32
    %dma_start3A_147 = arith.constant 3 : i32
    %dma_start3A_148 = arith.constant 0 : i32
    %dma_start3A_149 = arith.constant 0 : i32
    %dma_start3A_150 = tpu.memref_slice %arg9[%dma_start3A_146, %dma_start3A_148, %dma_start3A_149] : memref<5x1000x8xf32, #tpu.memory_space<vmem>> -> memref<1x1000x8xf32, #tpu.memory_space<vmem>>
    %dma_start3A_151 = tpu.memref_squeeze %dma_start3A_150 : memref<1x1000x8xf32, #tpu.memory_space<vmem>> -> memref<1000x8xf32, #tpu.memory_space<vmem>>
    %dma_start3A_152 = arith.constant 0 : i32
    %dma_start3A_153 = tpu.memref_slice %arg8[%dma_start3A_147, %dma_start3A_152] : memref<5x1000xi32, #tpu.memory_space<vmem>> -> memref<1x1000xi32, #tpu.memory_space<vmem>>
    %dma_start3A_154 = tpu.memref_squeeze %dma_start3A_153 : memref<1x1000xi32, #tpu.memory_space<vmem>> -> memref<1000xi32, #tpu.memory_space<vmem>>
    %dma_start3A_155 = arith.constant 0 : i32
    %dma_start3A_156 = arith.constant 0 : i32
    %dma_start3A_157 = tpu.memref_slice %arg6[%dma_start3A_155, %dma_start3A_156] : memref<10112x8xf32, #tpu.memory_space<vmem_shared>> -> memref<10112x8xf32, #tpu.memory_space<vmem_shared>>
    tpu.enqueue_indirect_dma source(%dma_start3A_151 : memref<1000x8xf32, #tpu.memory_space<vmem>>) target(%dma_start3A_157 : memref<10112x8xf32, #tpu.memory_space<vmem_shared>>) offsets(%dma_start3A_154 : memref<1000xi32, #tpu.memory_space<vmem>>) semaphore(%arg11 : memref<!tpu.dma_semaphore, #tpu.memory_space<semaphore_mem>>) {add = true}
    %dma_wait3A_158 = arith.constant 4 : i32
    %dma_wait3A_159 = arith.constant 4 : i32
    %dma_wait3A_160 = arith.constant 0 : i32
    %dma_wait3A_161 = arith.constant 0 : i32
    %dma_wait3A_162 = tpu.memref_slice %arg9[%dma_wait3A_159, %dma_wait3A_160, %dma_wait3A_161] : memref<5x1000x8xf32, #tpu.memory_space<vmem>> -> memref<1x1000x8xf32, #tpu.memory_space<vmem>>
    %dma_wait3A_163 = tpu.memref_squeeze %dma_wait3A_162 : memref<1x1000x8xf32, #tpu.memory_space<vmem>> -> memref<1000x8xf32, #tpu.memory_space<vmem>>
    %dma_wait3A_164 = arith.constant 0 : i32
    %dma_wait3A_165 = tpu.memref_slice %arg7[%dma_wait3A_158, %dma_wait3A_164] : memref<5x1000xi32, #tpu.memory_space<vmem>> -> memref<1x1000xi32, #tpu.memory_space<vmem>>
    %dma_wait3A_166 = tpu.memref_squeeze %dma_wait3A_165 : memref<1x1000xi32, #tpu.memory_space<vmem>> -> memref<1000xi32, #tpu.memory_space<vmem>>
    %dma_wait3A_167 = arith.constant 0 : i32
    %dma_wait3A_168 = arith.constant 0 : i32
    %dma_wait3A_169 = tpu.memref_slice %arg2[%dma_wait3A_167, %dma_wait3A_168] : memref<10112x8xf32, #tpu.memory_space<hbm>> -> memref<10112x8xf32, #tpu.memory_space<hbm>>
    tpu.wait_indirect_dma semaphore(%arg10 : memref<!tpu.dma_semaphore, #tpu.memory_space<semaphore_mem>>) src(%dma_wait3A_169 : memref<10112x8xf32, #tpu.memory_space<hbm>>) dst(%dma_wait3A_163 : memref<1000x8xf32, #tpu.memory_space<vmem>>)
    %dma_start3A_170 = arith.constant 4 : i32
    %dma_start3A_171 = arith.constant 4 : i32
    %dma_start3A_172 = arith.constant 0 : i32
    %dma_start3A_173 = arith.constant 0 : i32
    %dma_start3A_174 = tpu.memref_slice %arg9[%dma_start3A_170, %dma_start3A_172, %dma_start3A_173] : memref<5x1000x8xf32, #tpu.memory_space<vmem>> -> memref<1x1000x8xf32, #tpu.memory_space<vmem>>
    %dma_start3A_175 = tpu.memref_squeeze %dma_start3A_174 : memref<1x1000x8xf32, #tpu.memory_space<vmem>> -> memref<1000x8xf32, #tpu.memory_space<vmem>>
    %dma_start3A_176 = arith.constant 0 : i32
    %dma_start3A_177 = tpu.memref_slice %arg8[%dma_start3A_171, %dma_start3A_176] : memref<5x1000xi32, #tpu.memory_space<vmem>> -> memref<1x1000xi32, #tpu.memory_space<vmem>>
    %dma_start3A_178 = tpu.memref_squeeze %dma_start3A_177 : memref<1x1000xi32, #tpu.memory_space<vmem>> -> memref<1000xi32, #tpu.memory_space<vmem>>
    %dma_start3A_179 = arith.constant 0 : i32
    %dma_start3A_180 = arith.constant 0 : i32
    %dma_start3A_181 = tpu.memref_slice %arg6[%dma_start3A_179, %dma_start3A_180] : memref<10112x8xf32, #tpu.memory_space<vmem_shared>> -> memref<10112x8xf32, #tpu.memory_space<vmem_shared>>
    tpu.enqueue_indirect_dma source(%dma_start3A_175 : memref<1000x8xf32, #tpu.memory_space<vmem>>) target(%dma_start3A_181 : memref<10112x8xf32, #tpu.memory_space<vmem_shared>>) offsets(%dma_start3A_178 : memref<1000xi32, #tpu.memory_space<vmem>>) semaphore(%arg11 : memref<!tpu.dma_semaphore, #tpu.memory_space<semaphore_mem>>) {add = true}
    %dma_wait3A_182 = arith.constant 0 : i32
    %dma_wait3A_183 = arith.constant 0 : i32
    %dma_wait3A_184 = arith.constant 0 : i32
    %dma_wait3A_185 = arith.constant 0 : i32
    %dma_wait3A_186 = tpu.memref_slice %arg9[%dma_wait3A_182, %dma_wait3A_184, %dma_wait3A_185] : memref<5x1000x8xf32, #tpu.memory_space<vmem>> -> memref<1x1000x8xf32, #tpu.memory_space<vmem>>
    %dma_wait3A_187 = tpu.memref_squeeze %dma_wait3A_186 : memref<1x1000x8xf32, #tpu.memory_space<vmem>> -> memref<1000x8xf32, #tpu.memory_space<vmem>>
    %dma_wait3A_188 = arith.constant 0 : i32
    %dma_wait3A_189 = tpu.memref_slice %arg8[%dma_wait3A_183, %dma_wait3A_188] : memref<5x1000xi32, #tpu.memory_space<vmem>> -> memref<1x1000xi32, #tpu.memory_space<vmem>>
    %dma_wait3A_190 = tpu.memref_squeeze %dma_wait3A_189 : memref<1x1000xi32, #tpu.memory_space<vmem>> -> memref<1000xi32, #tpu.memory_space<vmem>>
    %dma_wait3A_191 = arith.constant 0 : i32
    %dma_wait3A_192 = arith.constant 0 : i32
    %dma_wait3A_193 = tpu.memref_slice %arg6[%dma_wait3A_191, %dma_wait3A_192] : memref<10112x8xf32, #tpu.memory_space<vmem_shared>> -> memref<10112x8xf32, #tpu.memory_space<vmem_shared>>
    tpu.wait_indirect_dma semaphore(%arg11 : memref<!tpu.dma_semaphore, #tpu.memory_space<semaphore_mem>>) src(%dma_wait3A_187 : memref<1000x8xf32, #tpu.memory_space<vmem>>) dst(%dma_wait3A_193 : memref<10112x8xf32, #tpu.memory_space<vmem_shared>>)
    %dma_wait3A_194 = arith.constant 1 : i32
    %dma_wait3A_195 = arith.constant 1 : i32
    %dma_wait3A_196 = arith.constant 0 : i32
    %dma_wait3A_197 = arith.constant 0 : i32
    %dma_wait3A_198 = tpu.memref_slice %arg9[%dma_wait3A_194, %dma_wait3A_196, %dma_wait3A_197] : memref<5x1000x8xf32, #tpu.memory_space<vmem>> -> memref<1x1000x8xf32, #tpu.memory_space<vmem>>
    %dma_wait3A_199 = tpu.memref_squeeze %dma_wait3A_198 : memref<1x1000x8xf32, #tpu.memory_space<vmem>> -> memref<1000x8xf32, #tpu.memory_space<vmem>>
    %dma_wait3A_200 = arith.constant 0 : i32
    %dma_wait3A_201 = tpu.memref_slice %arg8[%dma_wait3A_195, %dma_wait3A_200] : memref<5x1000xi32, #tpu.memory_space<vmem>> -> memref<1x1000xi32, #tpu.memory_space<vmem>>
    %dma_wait3A_202 = tpu.memref_squeeze %dma_wait3A_201 : memref<1x1000xi32, #tpu.memory_space<vmem>> -> memref<1000xi32, #tpu.memory_space<vmem>>
    %dma_wait3A_203 = arith.constant 0 : i32
    %dma_wait3A_204 = arith.constant 0 : i32
    %dma_wait3A_205 = tpu.memref_slice %arg6[%dma_wait3A_203, %dma_wait3A_204] : memref<10112x8xf32, #tpu.memory_space<vmem_shared>> -> memref<10112x8xf32, #tpu.memory_space<vmem_shared>>
    tpu.wait_indirect_dma semaphore(%arg11 : memref<!tpu.dma_semaphore, #tpu.memory_space<semaphore_mem>>) src(%dma_wait3A_199 : memref<1000x8xf32, #tpu.memory_space<vmem>>) dst(%dma_wait3A_205 : memref<10112x8xf32, #tpu.memory_space<vmem_shared>>)
    %dma_wait3A_206 = arith.constant 2 : i32
    %dma_wait3A_207 = arith.constant 2 : i32
    %dma_wait3A_208 = arith.constant 0 : i32
    %dma_wait3A_209 = arith.constant 0 : i32
    %dma_wait3A_210 = tpu.memref_slice %arg9[%dma_wait3A_206, %dma_wait3A_208, %dma_wait3A_209] : memref<5x1000x8xf32, #tpu.memory_space<vmem>> -> memref<1x1000x8xf32, #tpu.memory_space<vmem>>
    %dma_wait3A_211 = tpu.memref_squeeze %dma_wait3A_210 : memref<1x1000x8xf32, #tpu.memory_space<vmem>> -> memref<1000x8xf32, #tpu.memory_space<vmem>>
    %dma_wait3A_212 = arith.constant 0 : i32
    %dma_wait3A_213 = tpu.memref_slice %arg8[%dma_wait3A_207, %dma_wait3A_212] : memref<5x1000xi32, #tpu.memory_space<vmem>> -> memref<1x1000xi32, #tpu.memory_space<vmem>>
    %dma_wait3A_214 = tpu.memref_squeeze %dma_wait3A_213 : memref<1x1000xi32, #tpu.memory_space<vmem>> -> memref<1000xi32, #tpu.memory_space<vmem>>
    %dma_wait3A_215 = arith.constant 0 : i32
    %dma_wait3A_216 = arith.constant 0 : i32
    %dma_wait3A_217 = tpu.memref_slice %arg6[%dma_wait3A_215, %dma_wait3A_216] : memref<10112x8xf32, #tpu.memory_space<vmem_shared>> -> memref<10112x8xf32, #tpu.memory_space<vmem_shared>>
    tpu.wait_indirect_dma semaphore(%arg11 : memref<!tpu.dma_semaphore, #tpu.memory_space<semaphore_mem>>) src(%dma_wait3A_211 : memref<1000x8xf32, #tpu.memory_space<vmem>>) dst(%dma_wait3A_217 : memref<10112x8xf32, #tpu.memory_space<vmem_shared>>)
    %dma_wait3A_218 = arith.constant 3 : i32
    %dma_wait3A_219 = arith.constant 3 : i32
    %dma_wait3A_220 = arith.constant 0 : i32
    %dma_wait3A_221 = arith.constant 0 : i32
    %dma_wait3A_222 = tpu.memref_slice %arg9[%dma_wait3A_218, %dma_wait3A_220, %dma_wait3A_221] : memref<5x1000x8xf32, #tpu.memory_space<vmem>> -> memref<1x1000x8xf32, #tpu.memory_space<vmem>>
    %dma_wait3A_223 = tpu.memref_squeeze %dma_wait3A_222 : memref<1x1000x8xf32, #tpu.memory_space<vmem>> -> memref<1000x8xf32, #tpu.memory_space<vmem>>
    %dma_wait3A_224 = arith.constant 0 : i32
    %dma_wait3A_225 = tpu.memref_slice %arg8[%dma_wait3A_219, %dma_wait3A_224] : memref<5x1000xi32, #tpu.memory_space<vmem>> -> memref<1x1000xi32, #tpu.memory_space<vmem>>
    %dma_wait3A_226 = tpu.memref_squeeze %dma_wait3A_225 : memref<1x1000xi32, #tpu.memory_space<vmem>> -> memref<1000xi32, #tpu.memory_space<vmem>>
    %dma_wait3A_227 = arith.constant 0 : i32
    %dma_wait3A_228 = arith.constant 0 : i32
    %dma_wait3A_229 = tpu.memref_slice %arg6[%dma_wait3A_227, %dma_wait3A_228] : memref<10112x8xf32, #tpu.memory_space<vmem_shared>> -> memref<10112x8xf32, #tpu.memory_space<vmem_shared>>
    tpu.wait_indirect_dma semaphore(%arg11 : memref<!tpu.dma_semaphore, #tpu.memory_space<semaphore_mem>>) src(%dma_wait3A_223 : memref<1000x8xf32, #tpu.memory_space<vmem>>) dst(%dma_wait3A_229 : memref<10112x8xf32, #tpu.memory_space<vmem_shared>>)
    %dma_wait3A_230 = arith.constant 4 : i32
    %dma_wait3A_231 = arith.constant 4 : i32
    %dma_wait3A_232 = arith.constant 0 : i32
    %dma_wait3A_233 = arith.constant 0 : i32
    %dma_wait3A_234 = tpu.memref_slice %arg9[%dma_wait3A_230, %dma_wait3A_232, %dma_wait3A_233] : memref<5x1000x8xf32, #tpu.memory_space<vmem>> -> memref<1x1000x8xf32, #tpu.memory_space<vmem>>
    %dma_wait3A_235 = tpu.memref_squeeze %dma_wait3A_234 : memref<1x1000x8xf32, #tpu.memory_space<vmem>> -> memref<1000x8xf32, #tpu.memory_space<vmem>>
    %dma_wait3A_236 = arith.constant 0 : i32
    %dma_wait3A_237 = tpu.memref_slice %arg8[%dma_wait3A_231, %dma_wait3A_236] : memref<5x1000xi32, #tpu.memory_space<vmem>> -> memref<1x1000xi32, #tpu.memory_space<vmem>>
    %dma_wait3A_238 = tpu.memref_squeeze %dma_wait3A_237 : memref<1x1000xi32, #tpu.memory_space<vmem>> -> memref<1000xi32, #tpu.memory_space<vmem>>
    %dma_wait3A_239 = arith.constant 0 : i32
    %dma_wait3A_240 = arith.constant 0 : i32
    %dma_wait3A_241 = tpu.memref_slice %arg6[%dma_wait3A_239, %dma_wait3A_240] : memref<10112x8xf32, #tpu.memory_space<vmem_shared>> -> memref<10112x8xf32, #tpu.memory_space<vmem_shared>>
    tpu.wait_indirect_dma semaphore(%arg11 : memref<!tpu.dma_semaphore, #tpu.memory_space<semaphore_mem>>) src(%dma_wait3A_235 : memref<1000x8xf32, #tpu.memory_space<vmem>>) dst(%dma_wait3A_241 : memref<10112x8xf32, #tpu.memory_space<vmem_shared>>)
    %barrier3A_242 = arith.constant 0 : index
    tpu.barrier barrier_id(%barrier3A_242)
    "tpu.region"() ({
      %run_scoped3A_243 = tpu.sem_alloc : memref<!tpu.dma_semaphore, #tpu.memory_space<semaphore_mem>>
      %dma_start3A_244 = arith.constant 0 : i32
      %dma_start3A_245 = arith.constant 0 : i32
      %dma_start3A_246 = tpu.memref_slice %arg5[%arg0, %dma_start3A_244, %dma_start3A_245] : memref<2x10112x8xf32, #tpu.memory_space<hbm>> -> memref<1x10112x8xf32, #tpu.memory_space<hbm>>
      %dma_start3A_247 = tpu.memref_squeeze %dma_start3A_246 : memref<1x10112x8xf32, #tpu.memory_space<hbm>> -> memref<10112x8xf32, #tpu.memory_space<hbm>>
      %dma_start3A_248 = arith.constant 0 : i32
      %dma_start3A_249 = tpu.memref_slice %dma_start3A_247[%mul3A_2, %dma_start3A_248] : memref<10112x8xf32, #tpu.memory_space<hbm>> -> memref<632x8xf32, #tpu.memory_space<hbm>>
      %dma_start3A_250 = arith.constant 0 : i32
      %dma_start3A_251 = tpu.memref_slice %arg6[%mul3A_2, %dma_start3A_250] : memref<10112x8xf32, #tpu.memory_space<vmem_shared>> -> memref<632x8xf32, #tpu.memory_space<vmem_shared>>
      tpu.enqueue_dma source(%dma_start3A_251 : memref<632x8xf32, #tpu.memory_space<vmem_shared>>) target(%dma_start3A_249 : memref<632x8xf32, #tpu.memory_space<hbm>>) target_semaphore(%run_scoped3A_243 : memref<!tpu.dma_semaphore, #tpu.memory_space<semaphore_mem>>)
      %dma_wait3A_252 = arith.constant 0 : i32
      %dma_wait3A_253 = arith.constant 0 : i32
      %dma_wait3A_254 = tpu.memref_slice %arg5[%arg0, %dma_wait3A_252, %dma_wait3A_253] : memref<2x10112x8xf32, #tpu.memory_space<hbm>> -> memref<1x10112x8xf32, #tpu.memory_space<hbm>>
      %dma_wait3A_255 = tpu.memref_squeeze %dma_wait3A_254 : memref<1x10112x8xf32, #tpu.memory_space<hbm>> -> memref<10112x8xf32, #tpu.memory_space<hbm>>
      %dma_wait3A_256 = arith.constant 0 : i32
      %dma_wait3A_257 = tpu.memref_slice %dma_wait3A_255[%mul3A_2, %dma_wait3A_256] : memref<10112x8xf32, #tpu.memory_space<hbm>> -> memref<632x8xf32, #tpu.memory_space<hbm>>
      %dma_wait3A_258 = arith.constant 0 : i32
      %dma_wait3A_259 = tpu.memref_slice %arg6[%mul3A_2, %dma_wait3A_258] : memref<10112x8xf32, #tpu.memory_space<vmem_shared>> -> memref<632x8xf32, #tpu.memory_space<vmem_shared>>
      tpu.wait_dma2 semaphore(%run_scoped3A_243 : memref<!tpu.dma_semaphore, #tpu.memory_space<semaphore_mem>>) src(%dma_wait3A_259 : memref<632x8xf32, #tpu.memory_space<vmem_shared>>) dst(%dma_wait3A_257 : memref<632x8xf32, #tpu.memory_space<hbm>>)
      tpu.yield
    }) : () -> ()
    return
  }
}

#map = affine_map<(d0, d1) -> (0, 0)>
#map1 = affine_map<(d0, d1) -> (0, 0, 0, 0)>
#map2 = affine_map<(d0, d1) -> (0, 0, 0)>
module attributes {stable_mosaic.version = 14 : i64} {
  func.func @_sc_agg_body(%arg0: i32, %arg1: i32, %arg2: memref<10112x8xf32, #tpu.memory_space<hbm>>, %arg3: memref<2x32x5x1000xi32, #tpu.memory_space<hbm>>, %arg4: memref<10112x8xf32, #tpu.memory_space<hbm>>, %arg5: memref<2x10112x8xf32, #tpu.memory_space<hbm>>, %arg6: memref<10112x8xf32, #tpu.memory_space<vmem_shared>>, %arg7: memref<5x1000xi32, #tpu.memory_space<vmem>>, %arg8: memref<5x1000xi32, #tpu.memory_space<vmem>>, %arg9: memref<5x1000x8xf32, #tpu.memory_space<vmem>>, %arg10: memref<!tpu.dma_semaphore, #tpu.memory_space<semaphore_mem>>, %arg11: memref<!tpu.dma_semaphore, #tpu.memory_space<semaphore_mem>>) attributes {dimension_semantics = [#tpu.dimension_semantics<core_parallel>, #tpu.dimension_semantics<subcore_parallel>], iteration_bounds = array<i64: 2, 16>, scalar_prefetch = 0 : i64, scratch_operands = 6 : i64, tpu.core_type = #tpu.core_type<sc_vector_subcore>, window_params = [{transform_indices = #map}, {transform_indices = #map1}, {transform_indices = #map}, {transform_indices = #map2}]} {
    %mul3A = arith.constant 16 : i32
    %mul3A_0 = arith.muli %arg0, %mul3A : i32
    %add3A = arith.addi %mul3A_0, %arg1 : i32
    %mul3A_1 = arith.constant 632 : i32
    %mul3A_2 = arith.muli %arg1, %mul3A_1 : i32
    %run_scoped3A = arith.constant 0 : i32
    "tpu.region"() ({
      %run_scoped3A_243 = tpu.sem_alloc : memref<!tpu.dma_semaphore, #tpu.memory_space<semaphore_mem>>
      %dma_start3A_244 = arith.constant 0 : i32
      %dma_start3A_245 = arith.constant 0 : i32
      %dma_start3A_246 = arith.constant 0 : i32
      %dma_start3A_247 = tpu.memref_slice %arg3[%run_scoped3A, %dma_start3A_244, %dma_start3A_245, %dma_start3A_246] : memref<2x32x5x1000xi32, #tpu.memory_space<hbm>> -> memref<1x32x5x1000xi32, #tpu.memory_space<hbm>>
      %dma_start3A_248 = tpu.memref_squeeze %dma_start3A_247 : memref<1x32x5x1000xi32, #tpu.memory_space<hbm>> -> memref<32x5x1000xi32, #tpu.memory_space<hbm>>
      %dma_start3A_249 = arith.constant 0 : i32
      %dma_start3A_250 = arith.constant 0 : i32
      %dma_start3A_251 = tpu.memref_slice %dma_start3A_248[%add3A, %dma_start3A_249, %dma_start3A_250] : memref<32x5x1000xi32, #tpu.memory_space<hbm>> -> memref<1x5x1000xi32, #tpu.memory_space<hbm>>
      %dma_start3A_252 = tpu.memref_squeeze %dma_start3A_251 : memref<1x5x1000xi32, #tpu.memory_space<hbm>> -> memref<5x1000xi32, #tpu.memory_space<hbm>>
      %dma_start3A_253 = arith.constant 0 : i32
      %dma_start3A_254 = arith.constant 0 : i32
      %dma_start3A_255 = arith.constant 0 : i32
      %dma_start3A_256 = tpu.memref_slice %arg3[%run_scoped3A, %dma_start3A_253, %dma_start3A_254, %dma_start3A_255] : memref<2x32x5x1000xi32, #tpu.memory_space<hbm>> -> memref<1x32x5x1000xi32, #tpu.memory_space<hbm>>
      %dma_start3A_257 = tpu.memref_squeeze %dma_start3A_256 : memref<1x32x5x1000xi32, #tpu.memory_space<hbm>> -> memref<32x5x1000xi32, #tpu.memory_space<hbm>>
      %dma_start3A_258 = arith.constant 0 : i32
      %dma_start3A_259 = arith.constant 0 : i32
      %dma_start3A_260 = tpu.memref_slice %dma_start3A_257[%add3A, %dma_start3A_258, %dma_start3A_259] : memref<32x5x1000xi32, #tpu.memory_space<hbm>> -> memref<1x5x1000xi32, #tpu.memory_space<hbm>>
      %dma_start3A_261 = tpu.memref_squeeze %dma_start3A_260 : memref<1x5x1000xi32, #tpu.memory_space<hbm>> -> memref<5x1000xi32, #tpu.memory_space<hbm>>
      tpu.enqueue_dma source(%dma_start3A_261 : memref<5x1000xi32, #tpu.memory_space<hbm>>) target(%arg7 : memref<5x1000xi32, #tpu.memory_space<vmem>>) target_semaphore(%run_scoped3A_243 : memref<!tpu.dma_semaphore, #tpu.memory_space<semaphore_mem>>)
      %dma_wait3A_262 = arith.constant 0 : i32
      %dma_wait3A_263 = arith.constant 0 : i32
      %dma_wait3A_264 = arith.constant 0 : i32
      %dma_wait3A_265 = tpu.memref_slice %arg3[%run_scoped3A, %dma_wait3A_262, %dma_wait3A_263, %dma_wait3A_264] : memref<2x32x5x1000xi32, #tpu.memory_space<hbm>> -> memref<1x32x5x1000xi32, #tpu.memory_space<hbm>>
      %dma_wait3A_266 = tpu.memref_squeeze %dma_wait3A_265 : memref<1x32x5x1000xi32, #tpu.memory_space<hbm>> -> memref<32x5x1000xi32, #tpu.memory_space<hbm>>
      %dma_wait3A_267 = arith.constant 0 : i32
      %dma_wait3A_268 = arith.constant 0 : i32
      %dma_wait3A_269 = tpu.memref_slice %dma_wait3A_266[%add3A, %dma_wait3A_267, %dma_wait3A_268] : memref<32x5x1000xi32, #tpu.memory_space<hbm>> -> memref<1x5x1000xi32, #tpu.memory_space<hbm>>
      %dma_wait3A_270 = tpu.memref_squeeze %dma_wait3A_269 : memref<1x5x1000xi32, #tpu.memory_space<hbm>> -> memref<5x1000xi32, #tpu.memory_space<hbm>>
      %dma_wait3A_271 = arith.constant 0 : i32
      %dma_wait3A_272 = arith.constant 0 : i32
      %dma_wait3A_273 = arith.constant 0 : i32
      %dma_wait3A_274 = tpu.memref_slice %arg3[%run_scoped3A, %dma_wait3A_271, %dma_wait3A_272, %dma_wait3A_273] : memref<2x32x5x1000xi32, #tpu.memory_space<hbm>> -> memref<1x32x5x1000xi32, #tpu.memory_space<hbm>>
      %dma_wait3A_275 = tpu.memref_squeeze %dma_wait3A_274 : memref<1x32x5x1000xi32, #tpu.memory_space<hbm>> -> memref<32x5x1000xi32, #tpu.memory_space<hbm>>
      %dma_wait3A_276 = arith.constant 0 : i32
      %dma_wait3A_277 = arith.constant 0 : i32
      %dma_wait3A_278 = tpu.memref_slice %dma_wait3A_275[%add3A, %dma_wait3A_276, %dma_wait3A_277] : memref<32x5x1000xi32, #tpu.memory_space<hbm>> -> memref<1x5x1000xi32, #tpu.memory_space<hbm>>
      %dma_wait3A_279 = tpu.memref_squeeze %dma_wait3A_278 : memref<1x5x1000xi32, #tpu.memory_space<hbm>> -> memref<5x1000xi32, #tpu.memory_space<hbm>>
      tpu.wait_dma2 semaphore(%run_scoped3A_243 : memref<!tpu.dma_semaphore, #tpu.memory_space<semaphore_mem>>) src(%dma_wait3A_279 : memref<5x1000xi32, #tpu.memory_space<hbm>>) dst(%arg7 : memref<5x1000xi32, #tpu.memory_space<vmem>>)
      tpu.yield
    }) : () -> ()
    %run_scoped3A_3 = arith.constant 1 : i32
    "tpu.region"() ({
      %run_scoped3A_243 = tpu.sem_alloc : memref<!tpu.dma_semaphore, #tpu.memory_space<semaphore_mem>>
      %dma_start3A_244 = arith.constant 0 : i32
      %dma_start3A_245 = arith.constant 0 : i32
      %dma_start3A_246 = arith.constant 0 : i32
      %dma_start3A_247 = tpu.memref_slice %arg3[%run_scoped3A_3, %dma_start3A_244, %dma_start3A_245, %dma_start3A_246] : memref<2x32x5x1000xi32, #tpu.memory_space<hbm>> -> memref<1x32x5x1000xi32, #tpu.memory_space<hbm>>
      %dma_start3A_248 = tpu.memref_squeeze %dma_start3A_247 : memref<1x32x5x1000xi32, #tpu.memory_space<hbm>> -> memref<32x5x1000xi32, #tpu.memory_space<hbm>>
      %dma_start3A_249 = arith.constant 0 : i32
      %dma_start3A_250 = arith.constant 0 : i32
      %dma_start3A_251 = tpu.memref_slice %dma_start3A_248[%add3A, %dma_start3A_249, %dma_start3A_250] : memref<32x5x1000xi32, #tpu.memory_space<hbm>> -> memref<1x5x1000xi32, #tpu.memory_space<hbm>>
      %dma_start3A_252 = tpu.memref_squeeze %dma_start3A_251 : memref<1x5x1000xi32, #tpu.memory_space<hbm>> -> memref<5x1000xi32, #tpu.memory_space<hbm>>
      %dma_start3A_253 = arith.constant 0 : i32
      %dma_start3A_254 = arith.constant 0 : i32
      %dma_start3A_255 = arith.constant 0 : i32
      %dma_start3A_256 = tpu.memref_slice %arg3[%run_scoped3A_3, %dma_start3A_253, %dma_start3A_254, %dma_start3A_255] : memref<2x32x5x1000xi32, #tpu.memory_space<hbm>> -> memref<1x32x5x1000xi32, #tpu.memory_space<hbm>>
      %dma_start3A_257 = tpu.memref_squeeze %dma_start3A_256 : memref<1x32x5x1000xi32, #tpu.memory_space<hbm>> -> memref<32x5x1000xi32, #tpu.memory_space<hbm>>
      %dma_start3A_258 = arith.constant 0 : i32
      %dma_start3A_259 = arith.constant 0 : i32
      %dma_start3A_260 = tpu.memref_slice %dma_start3A_257[%add3A, %dma_start3A_258, %dma_start3A_259] : memref<32x5x1000xi32, #tpu.memory_space<hbm>> -> memref<1x5x1000xi32, #tpu.memory_space<hbm>>
      %dma_start3A_261 = tpu.memref_squeeze %dma_start3A_260 : memref<1x5x1000xi32, #tpu.memory_space<hbm>> -> memref<5x1000xi32, #tpu.memory_space<hbm>>
      tpu.enqueue_dma source(%dma_start3A_261 : memref<5x1000xi32, #tpu.memory_space<hbm>>) target(%arg8 : memref<5x1000xi32, #tpu.memory_space<vmem>>) target_semaphore(%run_scoped3A_243 : memref<!tpu.dma_semaphore, #tpu.memory_space<semaphore_mem>>)
      %dma_wait3A_262 = arith.constant 0 : i32
      %dma_wait3A_263 = arith.constant 0 : i32
      %dma_wait3A_264 = arith.constant 0 : i32
      %dma_wait3A_265 = tpu.memref_slice %arg3[%run_scoped3A_3, %dma_wait3A_262, %dma_wait3A_263, %dma_wait3A_264] : memref<2x32x5x1000xi32, #tpu.memory_space<hbm>> -> memref<1x32x5x1000xi32, #tpu.memory_space<hbm>>
      %dma_wait3A_266 = tpu.memref_squeeze %dma_wait3A_265 : memref<1x32x5x1000xi32, #tpu.memory_space<hbm>> -> memref<32x5x1000xi32, #tpu.memory_space<hbm>>
      %dma_wait3A_267 = arith.constant 0 : i32
      %dma_wait3A_268 = arith.constant 0 : i32
      %dma_wait3A_269 = tpu.memref_slice %dma_wait3A_266[%add3A, %dma_wait3A_267, %dma_wait3A_268] : memref<32x5x1000xi32, #tpu.memory_space<hbm>> -> memref<1x5x1000xi32, #tpu.memory_space<hbm>>
      %dma_wait3A_270 = tpu.memref_squeeze %dma_wait3A_269 : memref<1x5x1000xi32, #tpu.memory_space<hbm>> -> memref<5x1000xi32, #tpu.memory_space<hbm>>
      %dma_wait3A_271 = arith.constant 0 : i32
      %dma_wait3A_272 = arith.constant 0 : i32
      %dma_wait3A_273 = arith.constant 0 : i32
      %dma_wait3A_274 = tpu.memref_slice %arg3[%run_scoped3A_3, %dma_wait3A_271, %dma_wait3A_272, %dma_wait3A_273] : memref<2x32x5x1000xi32, #tpu.memory_space<hbm>> -> memref<1x32x5x1000xi32, #tpu.memory_space<hbm>>
      %dma_wait3A_275 = tpu.memref_squeeze %dma_wait3A_274 : memref<1x32x5x1000xi32, #tpu.memory_space<hbm>> -> memref<32x5x1000xi32, #tpu.memory_space<hbm>>
      %dma_wait3A_276 = arith.constant 0 : i32
      %dma_wait3A_277 = arith.constant 0 : i32
      %dma_wait3A_278 = tpu.memref_slice %dma_wait3A_275[%add3A, %dma_wait3A_276, %dma_wait3A_277] : memref<32x5x1000xi32, #tpu.memory_space<hbm>> -> memref<1x5x1000xi32, #tpu.memory_space<hbm>>
      %dma_wait3A_279 = tpu.memref_squeeze %dma_wait3A_278 : memref<1x5x1000xi32, #tpu.memory_space<hbm>> -> memref<5x1000xi32, #tpu.memory_space<hbm>>
      tpu.wait_dma2 semaphore(%run_scoped3A_243 : memref<!tpu.dma_semaphore, #tpu.memory_space<semaphore_mem>>) src(%dma_wait3A_279 : memref<5x1000xi32, #tpu.memory_space<hbm>>) dst(%arg8 : memref<5x1000xi32, #tpu.memory_space<vmem>>)
      tpu.yield
    }) : () -> ()
    %dma_start3A = arith.constant 0 : i32
    %dma_start3A_4 = arith.constant 0 : i32
    %dma_start3A_5 = arith.constant 0 : i32
    %dma_start3A_6 = arith.constant 0 : i32
    %dma_start3A_7 = tpu.memref_slice %arg9[%dma_start3A_4, %dma_start3A_5, %dma_start3A_6] : memref<5x1000x8xf32, #tpu.memory_space<vmem>> -> memref<1x1000x8xf32, #tpu.memory_space<vmem>>
    %dma_start3A_8 = tpu.memref_squeeze %dma_start3A_7 : memref<1x1000x8xf32, #tpu.memory_space<vmem>> -> memref<1000x8xf32, #tpu.memory_space<vmem>>
    %dma_start3A_9 = arith.constant 0 : i32
    %dma_start3A_10 = tpu.memref_slice %arg7[%dma_start3A, %dma_start3A_9] : memref<5x1000xi32, #tpu.memory_space<vmem>> -> memref<1x1000xi32, #tpu.memory_space<vmem>>
    %dma_start3A_11 = tpu.memref_squeeze %dma_start3A_10 : memref<1x1000xi32, #tpu.memory_space<vmem>> -> memref<1000xi32, #tpu.memory_space<vmem>>
    %dma_start3A_12 = arith.constant 0 : i32
    %dma_start3A_13 = arith.constant 0 : i32
    %dma_start3A_14 = tpu.memref_slice %arg2[%dma_start3A_12, %dma_start3A_13] : memref<10112x8xf32, #tpu.memory_space<hbm>> -> memref<10112x8xf32, #tpu.memory_space<hbm>>
    tpu.enqueue_indirect_dma source(%dma_start3A_14 : memref<10112x8xf32, #tpu.memory_space<hbm>>) target(%dma_start3A_8 : memref<1000x8xf32, #tpu.memory_space<vmem>>) offsets(%dma_start3A_11 : memref<1000xi32, #tpu.memory_space<vmem>>) semaphore(%arg10 : memref<!tpu.dma_semaphore, #tpu.memory_space<semaphore_mem>>)
    %dma_start3A_15 = arith.constant 1 : i32
    %dma_start3A_16 = arith.constant 1 : i32
    %dma_start3A_17 = arith.constant 0 : i32
    %dma_start3A_18 = arith.constant 0 : i32
    %dma_start3A_19 = tpu.memref_slice %arg9[%dma_start3A_16, %dma_start3A_17, %dma_start3A_18] : memref<5x1000x8xf32, #tpu.memory_space<vmem>> -> memref<1x1000x8xf32, #tpu.memory_space<vmem>>
    %dma_start3A_20 = tpu.memref_squeeze %dma_start3A_19 : memref<1x1000x8xf32, #tpu.memory_space<vmem>> -> memref<1000x8xf32, #tpu.memory_space<vmem>>
    %dma_start3A_21 = arith.constant 0 : i32
    %dma_start3A_22 = tpu.memref_slice %arg7[%dma_start3A_15, %dma_start3A_21] : memref<5x1000xi32, #tpu.memory_space<vmem>> -> memref<1x1000xi32, #tpu.memory_space<vmem>>
    %dma_start3A_23 = tpu.memref_squeeze %dma_start3A_22 : memref<1x1000xi32, #tpu.memory_space<vmem>> -> memref<1000xi32, #tpu.memory_space<vmem>>
    %dma_start3A_24 = arith.constant 0 : i32
    %dma_start3A_25 = arith.constant 0 : i32
    %dma_start3A_26 = tpu.memref_slice %arg2[%dma_start3A_24, %dma_start3A_25] : memref<10112x8xf32, #tpu.memory_space<hbm>> -> memref<10112x8xf32, #tpu.memory_space<hbm>>
    tpu.enqueue_indirect_dma source(%dma_start3A_26 : memref<10112x8xf32, #tpu.memory_space<hbm>>) target(%dma_start3A_20 : memref<1000x8xf32, #tpu.memory_space<vmem>>) offsets(%dma_start3A_23 : memref<1000xi32, #tpu.memory_space<vmem>>) semaphore(%arg10 : memref<!tpu.dma_semaphore, #tpu.memory_space<semaphore_mem>>)
    %dma_start3A_27 = arith.constant 2 : i32
    %dma_start3A_28 = arith.constant 2 : i32
    %dma_start3A_29 = arith.constant 0 : i32
    %dma_start3A_30 = arith.constant 0 : i32
    %dma_start3A_31 = tpu.memref_slice %arg9[%dma_start3A_28, %dma_start3A_29, %dma_start3A_30] : memref<5x1000x8xf32, #tpu.memory_space<vmem>> -> memref<1x1000x8xf32, #tpu.memory_space<vmem>>
    %dma_start3A_32 = tpu.memref_squeeze %dma_start3A_31 : memref<1x1000x8xf32, #tpu.memory_space<vmem>> -> memref<1000x8xf32, #tpu.memory_space<vmem>>
    %dma_start3A_33 = arith.constant 0 : i32
    %dma_start3A_34 = tpu.memref_slice %arg7[%dma_start3A_27, %dma_start3A_33] : memref<5x1000xi32, #tpu.memory_space<vmem>> -> memref<1x1000xi32, #tpu.memory_space<vmem>>
    %dma_start3A_35 = tpu.memref_squeeze %dma_start3A_34 : memref<1x1000xi32, #tpu.memory_space<vmem>> -> memref<1000xi32, #tpu.memory_space<vmem>>
    %dma_start3A_36 = arith.constant 0 : i32
    %dma_start3A_37 = arith.constant 0 : i32
    %dma_start3A_38 = tpu.memref_slice %arg2[%dma_start3A_36, %dma_start3A_37] : memref<10112x8xf32, #tpu.memory_space<hbm>> -> memref<10112x8xf32, #tpu.memory_space<hbm>>
    tpu.enqueue_indirect_dma source(%dma_start3A_38 : memref<10112x8xf32, #tpu.memory_space<hbm>>) target(%dma_start3A_32 : memref<1000x8xf32, #tpu.memory_space<vmem>>) offsets(%dma_start3A_35 : memref<1000xi32, #tpu.memory_space<vmem>>) semaphore(%arg10 : memref<!tpu.dma_semaphore, #tpu.memory_space<semaphore_mem>>)
    %dma_start3A_39 = arith.constant 3 : i32
    %dma_start3A_40 = arith.constant 3 : i32
    %dma_start3A_41 = arith.constant 0 : i32
    %dma_start3A_42 = arith.constant 0 : i32
    %dma_start3A_43 = tpu.memref_slice %arg9[%dma_start3A_40, %dma_start3A_41, %dma_start3A_42] : memref<5x1000x8xf32, #tpu.memory_space<vmem>> -> memref<1x1000x8xf32, #tpu.memory_space<vmem>>
    %dma_start3A_44 = tpu.memref_squeeze %dma_start3A_43 : memref<1x1000x8xf32, #tpu.memory_space<vmem>> -> memref<1000x8xf32, #tpu.memory_space<vmem>>
    %dma_start3A_45 = arith.constant 0 : i32
    %dma_start3A_46 = tpu.memref_slice %arg7[%dma_start3A_39, %dma_start3A_45] : memref<5x1000xi32, #tpu.memory_space<vmem>> -> memref<1x1000xi32, #tpu.memory_space<vmem>>
    %dma_start3A_47 = tpu.memref_squeeze %dma_start3A_46 : memref<1x1000xi32, #tpu.memory_space<vmem>> -> memref<1000xi32, #tpu.memory_space<vmem>>
    %dma_start3A_48 = arith.constant 0 : i32
    %dma_start3A_49 = arith.constant 0 : i32
    %dma_start3A_50 = tpu.memref_slice %arg2[%dma_start3A_48, %dma_start3A_49] : memref<10112x8xf32, #tpu.memory_space<hbm>> -> memref<10112x8xf32, #tpu.memory_space<hbm>>
    tpu.enqueue_indirect_dma source(%dma_start3A_50 : memref<10112x8xf32, #tpu.memory_space<hbm>>) target(%dma_start3A_44 : memref<1000x8xf32, #tpu.memory_space<vmem>>) offsets(%dma_start3A_47 : memref<1000xi32, #tpu.memory_space<vmem>>) semaphore(%arg10 : memref<!tpu.dma_semaphore, #tpu.memory_space<semaphore_mem>>)
    %dma_start3A_51 = arith.constant 4 : i32
    %dma_start3A_52 = arith.constant 4 : i32
    %dma_start3A_53 = arith.constant 0 : i32
    %dma_start3A_54 = arith.constant 0 : i32
    %dma_start3A_55 = tpu.memref_slice %arg9[%dma_start3A_52, %dma_start3A_53, %dma_start3A_54] : memref<5x1000x8xf32, #tpu.memory_space<vmem>> -> memref<1x1000x8xf32, #tpu.memory_space<vmem>>
    %dma_start3A_56 = tpu.memref_squeeze %dma_start3A_55 : memref<1x1000x8xf32, #tpu.memory_space<vmem>> -> memref<1000x8xf32, #tpu.memory_space<vmem>>
    %dma_start3A_57 = arith.constant 0 : i32
    %dma_start3A_58 = tpu.memref_slice %arg7[%dma_start3A_51, %dma_start3A_57] : memref<5x1000xi32, #tpu.memory_space<vmem>> -> memref<1x1000xi32, #tpu.memory_space<vmem>>
    %dma_start3A_59 = tpu.memref_squeeze %dma_start3A_58 : memref<1x1000xi32, #tpu.memory_space<vmem>> -> memref<1000xi32, #tpu.memory_space<vmem>>
    %dma_start3A_60 = arith.constant 0 : i32
    %dma_start3A_61 = arith.constant 0 : i32
    %dma_start3A_62 = tpu.memref_slice %arg2[%dma_start3A_60, %dma_start3A_61] : memref<10112x8xf32, #tpu.memory_space<hbm>> -> memref<10112x8xf32, #tpu.memory_space<hbm>>
    tpu.enqueue_indirect_dma source(%dma_start3A_62 : memref<10112x8xf32, #tpu.memory_space<hbm>>) target(%dma_start3A_56 : memref<1000x8xf32, #tpu.memory_space<vmem>>) offsets(%dma_start3A_59 : memref<1000xi32, #tpu.memory_space<vmem>>) semaphore(%arg10 : memref<!tpu.dma_semaphore, #tpu.memory_space<semaphore_mem>>)
    "tpu.region"() ({
      %run_scoped3A_243 = tpu.sem_alloc : memref<!tpu.dma_semaphore, #tpu.memory_space<semaphore_mem>>
      %dma_start3A_244 = arith.constant 0 : i32
      %dma_start3A_245 = tpu.memref_slice %arg6[%mul3A_2, %dma_start3A_244] : memref<10112x8xf32, #tpu.memory_space<vmem_shared>> -> memref<632x8xf32, #tpu.memory_space<vmem_shared>>
      %dma_start3A_246 = arith.constant 0 : i32
      %dma_start3A_247 = tpu.memref_slice %arg4[%mul3A_2, %dma_start3A_246] : memref<10112x8xf32, #tpu.memory_space<hbm>> -> memref<632x8xf32, #tpu.memory_space<hbm>>
      tpu.enqueue_dma source(%dma_start3A_247 : memref<632x8xf32, #tpu.memory_space<hbm>>) target(%dma_start3A_245 : memref<632x8xf32, #tpu.memory_space<vmem_shared>>) target_semaphore(%run_scoped3A_243 : memref<!tpu.dma_semaphore, #tpu.memory_space<semaphore_mem>>)
      %dma_wait3A_248 = arith.constant 0 : i32
      %dma_wait3A_249 = tpu.memref_slice %arg6[%mul3A_2, %dma_wait3A_248] : memref<10112x8xf32, #tpu.memory_space<vmem_shared>> -> memref<632x8xf32, #tpu.memory_space<vmem_shared>>
      %dma_wait3A_250 = arith.constant 0 : i32
      %dma_wait3A_251 = tpu.memref_slice %arg4[%mul3A_2, %dma_wait3A_250] : memref<10112x8xf32, #tpu.memory_space<hbm>> -> memref<632x8xf32, #tpu.memory_space<hbm>>
      tpu.wait_dma2 semaphore(%run_scoped3A_243 : memref<!tpu.dma_semaphore, #tpu.memory_space<semaphore_mem>>) src(%dma_wait3A_251 : memref<632x8xf32, #tpu.memory_space<hbm>>) dst(%dma_wait3A_249 : memref<632x8xf32, #tpu.memory_space<vmem_shared>>)
      tpu.yield
    }) : () -> ()
    %barrier3A = arith.constant 0 : index
    tpu.barrier barrier_id(%barrier3A)
    %dma_wait3A = arith.constant 0 : i32
    %dma_wait3A_63 = arith.constant 0 : i32
    %dma_wait3A_64 = arith.constant 0 : i32
    %dma_wait3A_65 = arith.constant 0 : i32
    %dma_wait3A_66 = tpu.memref_slice %arg9[%dma_wait3A_63, %dma_wait3A_64, %dma_wait3A_65] : memref<5x1000x8xf32, #tpu.memory_space<vmem>> -> memref<1x1000x8xf32, #tpu.memory_space<vmem>>
    %dma_wait3A_67 = tpu.memref_squeeze %dma_wait3A_66 : memref<1x1000x8xf32, #tpu.memory_space<vmem>> -> memref<1000x8xf32, #tpu.memory_space<vmem>>
    %dma_wait3A_68 = arith.constant 0 : i32
    %dma_wait3A_69 = tpu.memref_slice %arg7[%dma_wait3A, %dma_wait3A_68] : memref<5x1000xi32, #tpu.memory_space<vmem>> -> memref<1x1000xi32, #tpu.memory_space<vmem>>
    %dma_wait3A_70 = tpu.memref_squeeze %dma_wait3A_69 : memref<1x1000xi32, #tpu.memory_space<vmem>> -> memref<1000xi32, #tpu.memory_space<vmem>>
    %dma_wait3A_71 = arith.constant 0 : i32
    %dma_wait3A_72 = arith.constant 0 : i32
    %dma_wait3A_73 = tpu.memref_slice %arg2[%dma_wait3A_71, %dma_wait3A_72] : memref<10112x8xf32, #tpu.memory_space<hbm>> -> memref<10112x8xf32, #tpu.memory_space<hbm>>
    tpu.wait_indirect_dma semaphore(%arg10 : memref<!tpu.dma_semaphore, #tpu.memory_space<semaphore_mem>>) src(%dma_wait3A_73 : memref<10112x8xf32, #tpu.memory_space<hbm>>) dst(%dma_wait3A_67 : memref<1000x8xf32, #tpu.memory_space<vmem>>)
    %dma_start3A_74 = arith.constant 0 : i32
    %dma_start3A_75 = arith.constant 0 : i32
    %dma_start3A_76 = arith.constant 0 : i32
    %dma_start3A_77 = arith.constant 0 : i32
    %dma_start3A_78 = tpu.memref_slice %arg9[%dma_start3A_74, %dma_start3A_76, %dma_start3A_77] : memref<5x1000x8xf32, #tpu.memory_space<vmem>> -> memref<1x1000x8xf32, #tpu.memory_space<vmem>>
    %dma_start3A_79 = tpu.memref_squeeze %dma_start3A_78 : memref<1x1000x8xf32, #tpu.memory_space<vmem>> -> memref<1000x8xf32, #tpu.memory_space<vmem>>
    %dma_start3A_80 = arith.constant 0 : i32
    %dma_start3A_81 = tpu.memref_slice %arg8[%dma_start3A_75, %dma_start3A_80] : memref<5x1000xi32, #tpu.memory_space<vmem>> -> memref<1x1000xi32, #tpu.memory_space<vmem>>
    %dma_start3A_82 = tpu.memref_squeeze %dma_start3A_81 : memref<1x1000xi32, #tpu.memory_space<vmem>> -> memref<1000xi32, #tpu.memory_space<vmem>>
    %dma_start3A_83 = arith.constant 0 : i32
    %dma_start3A_84 = arith.constant 0 : i32
    %dma_start3A_85 = tpu.memref_slice %arg6[%dma_start3A_83, %dma_start3A_84] : memref<10112x8xf32, #tpu.memory_space<vmem_shared>> -> memref<10112x8xf32, #tpu.memory_space<vmem_shared>>
    tpu.enqueue_indirect_dma source(%dma_start3A_79 : memref<1000x8xf32, #tpu.memory_space<vmem>>) target(%dma_start3A_85 : memref<10112x8xf32, #tpu.memory_space<vmem_shared>>) offsets(%dma_start3A_82 : memref<1000xi32, #tpu.memory_space<vmem>>) semaphore(%arg11 : memref<!tpu.dma_semaphore, #tpu.memory_space<semaphore_mem>>) {add = true}
    %dma_wait3A_86 = arith.constant 1 : i32
    %dma_wait3A_87 = arith.constant 1 : i32
    %dma_wait3A_88 = arith.constant 0 : i32
    %dma_wait3A_89 = arith.constant 0 : i32
    %dma_wait3A_90 = tpu.memref_slice %arg9[%dma_wait3A_87, %dma_wait3A_88, %dma_wait3A_89] : memref<5x1000x8xf32, #tpu.memory_space<vmem>> -> memref<1x1000x8xf32, #tpu.memory_space<vmem>>
    %dma_wait3A_91 = tpu.memref_squeeze %dma_wait3A_90 : memref<1x1000x8xf32, #tpu.memory_space<vmem>> -> memref<1000x8xf32, #tpu.memory_space<vmem>>
    %dma_wait3A_92 = arith.constant 0 : i32
    %dma_wait3A_93 = tpu.memref_slice %arg7[%dma_wait3A_86, %dma_wait3A_92] : memref<5x1000xi32, #tpu.memory_space<vmem>> -> memref<1x1000xi32, #tpu.memory_space<vmem>>
    %dma_wait3A_94 = tpu.memref_squeeze %dma_wait3A_93 : memref<1x1000xi32, #tpu.memory_space<vmem>> -> memref<1000xi32, #tpu.memory_space<vmem>>
    %dma_wait3A_95 = arith.constant 0 : i32
    %dma_wait3A_96 = arith.constant 0 : i32
    %dma_wait3A_97 = tpu.memref_slice %arg2[%dma_wait3A_95, %dma_wait3A_96] : memref<10112x8xf32, #tpu.memory_space<hbm>> -> memref<10112x8xf32, #tpu.memory_space<hbm>>
    tpu.wait_indirect_dma semaphore(%arg10 : memref<!tpu.dma_semaphore, #tpu.memory_space<semaphore_mem>>) src(%dma_wait3A_97 : memref<10112x8xf32, #tpu.memory_space<hbm>>) dst(%dma_wait3A_91 : memref<1000x8xf32, #tpu.memory_space<vmem>>)
    %dma_start3A_98 = arith.constant 1 : i32
    %dma_start3A_99 = arith.constant 1 : i32
    %dma_start3A_100 = arith.constant 0 : i32
    %dma_start3A_101 = arith.constant 0 : i32
    %dma_start3A_102 = tpu.memref_slice %arg9[%dma_start3A_98, %dma_start3A_100, %dma_start3A_101] : memref<5x1000x8xf32, #tpu.memory_space<vmem>> -> memref<1x1000x8xf32, #tpu.memory_space<vmem>>
    %dma_start3A_103 = tpu.memref_squeeze %dma_start3A_102 : memref<1x1000x8xf32, #tpu.memory_space<vmem>> -> memref<1000x8xf32, #tpu.memory_space<vmem>>
    %dma_start3A_104 = arith.constant 0 : i32
    %dma_start3A_105 = tpu.memref_slice %arg8[%dma_start3A_99, %dma_start3A_104] : memref<5x1000xi32, #tpu.memory_space<vmem>> -> memref<1x1000xi32, #tpu.memory_space<vmem>>
    %dma_start3A_106 = tpu.memref_squeeze %dma_start3A_105 : memref<1x1000xi32, #tpu.memory_space<vmem>> -> memref<1000xi32, #tpu.memory_space<vmem>>
    %dma_start3A_107 = arith.constant 0 : i32
    %dma_start3A_108 = arith.constant 0 : i32
    %dma_start3A_109 = tpu.memref_slice %arg6[%dma_start3A_107, %dma_start3A_108] : memref<10112x8xf32, #tpu.memory_space<vmem_shared>> -> memref<10112x8xf32, #tpu.memory_space<vmem_shared>>
    tpu.enqueue_indirect_dma source(%dma_start3A_103 : memref<1000x8xf32, #tpu.memory_space<vmem>>) target(%dma_start3A_109 : memref<10112x8xf32, #tpu.memory_space<vmem_shared>>) offsets(%dma_start3A_106 : memref<1000xi32, #tpu.memory_space<vmem>>) semaphore(%arg11 : memref<!tpu.dma_semaphore, #tpu.memory_space<semaphore_mem>>) {add = true}
    %dma_wait3A_110 = arith.constant 2 : i32
    %dma_wait3A_111 = arith.constant 2 : i32
    %dma_wait3A_112 = arith.constant 0 : i32
    %dma_wait3A_113 = arith.constant 0 : i32
    %dma_wait3A_114 = tpu.memref_slice %arg9[%dma_wait3A_111, %dma_wait3A_112, %dma_wait3A_113] : memref<5x1000x8xf32, #tpu.memory_space<vmem>> -> memref<1x1000x8xf32, #tpu.memory_space<vmem>>
    %dma_wait3A_115 = tpu.memref_squeeze %dma_wait3A_114 : memref<1x1000x8xf32, #tpu.memory_space<vmem>> -> memref<1000x8xf32, #tpu.memory_space<vmem>>
    %dma_wait3A_116 = arith.constant 0 : i32
    %dma_wait3A_117 = tpu.memref_slice %arg7[%dma_wait3A_110, %dma_wait3A_116] : memref<5x1000xi32, #tpu.memory_space<vmem>> -> memref<1x1000xi32, #tpu.memory_space<vmem>>
    %dma_wait3A_118 = tpu.memref_squeeze %dma_wait3A_117 : memref<1x1000xi32, #tpu.memory_space<vmem>> -> memref<1000xi32, #tpu.memory_space<vmem>>
    %dma_wait3A_119 = arith.constant 0 : i32
    %dma_wait3A_120 = arith.constant 0 : i32
    %dma_wait3A_121 = tpu.memref_slice %arg2[%dma_wait3A_119, %dma_wait3A_120] : memref<10112x8xf32, #tpu.memory_space<hbm>> -> memref<10112x8xf32, #tpu.memory_space<hbm>>
    tpu.wait_indirect_dma semaphore(%arg10 : memref<!tpu.dma_semaphore, #tpu.memory_space<semaphore_mem>>) src(%dma_wait3A_121 : memref<10112x8xf32, #tpu.memory_space<hbm>>) dst(%dma_wait3A_115 : memref<1000x8xf32, #tpu.memory_space<vmem>>)
    %dma_start3A_122 = arith.constant 2 : i32
    %dma_start3A_123 = arith.constant 2 : i32
    %dma_start3A_124 = arith.constant 0 : i32
    %dma_start3A_125 = arith.constant 0 : i32
    %dma_start3A_126 = tpu.memref_slice %arg9[%dma_start3A_122, %dma_start3A_124, %dma_start3A_125] : memref<5x1000x8xf32, #tpu.memory_space<vmem>> -> memref<1x1000x8xf32, #tpu.memory_space<vmem>>
    %dma_start3A_127 = tpu.memref_squeeze %dma_start3A_126 : memref<1x1000x8xf32, #tpu.memory_space<vmem>> -> memref<1000x8xf32, #tpu.memory_space<vmem>>
    %dma_start3A_128 = arith.constant 0 : i32
    %dma_start3A_129 = tpu.memref_slice %arg8[%dma_start3A_123, %dma_start3A_128] : memref<5x1000xi32, #tpu.memory_space<vmem>> -> memref<1x1000xi32, #tpu.memory_space<vmem>>
    %dma_start3A_130 = tpu.memref_squeeze %dma_start3A_129 : memref<1x1000xi32, #tpu.memory_space<vmem>> -> memref<1000xi32, #tpu.memory_space<vmem>>
    %dma_start3A_131 = arith.constant 0 : i32
    %dma_start3A_132 = arith.constant 0 : i32
    %dma_start3A_133 = tpu.memref_slice %arg6[%dma_start3A_131, %dma_start3A_132] : memref<10112x8xf32, #tpu.memory_space<vmem_shared>> -> memref<10112x8xf32, #tpu.memory_space<vmem_shared>>
    tpu.enqueue_indirect_dma source(%dma_start3A_127 : memref<1000x8xf32, #tpu.memory_space<vmem>>) target(%dma_start3A_133 : memref<10112x8xf32, #tpu.memory_space<vmem_shared>>) offsets(%dma_start3A_130 : memref<1000xi32, #tpu.memory_space<vmem>>) semaphore(%arg11 : memref<!tpu.dma_semaphore, #tpu.memory_space<semaphore_mem>>) {add = true}
    %dma_wait3A_134 = arith.constant 3 : i32
    %dma_wait3A_135 = arith.constant 3 : i32
    %dma_wait3A_136 = arith.constant 0 : i32
    %dma_wait3A_137 = arith.constant 0 : i32
    %dma_wait3A_138 = tpu.memref_slice %arg9[%dma_wait3A_135, %dma_wait3A_136, %dma_wait3A_137] : memref<5x1000x8xf32, #tpu.memory_space<vmem>> -> memref<1x1000x8xf32, #tpu.memory_space<vmem>>
    %dma_wait3A_139 = tpu.memref_squeeze %dma_wait3A_138 : memref<1x1000x8xf32, #tpu.memory_space<vmem>> -> memref<1000x8xf32, #tpu.memory_space<vmem>>
    %dma_wait3A_140 = arith.constant 0 : i32
    %dma_wait3A_141 = tpu.memref_slice %arg7[%dma_wait3A_134, %dma_wait3A_140] : memref<5x1000xi32, #tpu.memory_space<vmem>> -> memref<1x1000xi32, #tpu.memory_space<vmem>>
    %dma_wait3A_142 = tpu.memref_squeeze %dma_wait3A_141 : memref<1x1000xi32, #tpu.memory_space<vmem>> -> memref<1000xi32, #tpu.memory_space<vmem>>
    %dma_wait3A_143 = arith.constant 0 : i32
    %dma_wait3A_144 = arith.constant 0 : i32
    %dma_wait3A_145 = tpu.memref_slice %arg2[%dma_wait3A_143, %dma_wait3A_144] : memref<10112x8xf32, #tpu.memory_space<hbm>> -> memref<10112x8xf32, #tpu.memory_space<hbm>>
    tpu.wait_indirect_dma semaphore(%arg10 : memref<!tpu.dma_semaphore, #tpu.memory_space<semaphore_mem>>) src(%dma_wait3A_145 : memref<10112x8xf32, #tpu.memory_space<hbm>>) dst(%dma_wait3A_139 : memref<1000x8xf32, #tpu.memory_space<vmem>>)
    %dma_start3A_146 = arith.constant 3 : i32
    %dma_start3A_147 = arith.constant 3 : i32
    %dma_start3A_148 = arith.constant 0 : i32
    %dma_start3A_149 = arith.constant 0 : i32
    %dma_start3A_150 = tpu.memref_slice %arg9[%dma_start3A_146, %dma_start3A_148, %dma_start3A_149] : memref<5x1000x8xf32, #tpu.memory_space<vmem>> -> memref<1x1000x8xf32, #tpu.memory_space<vmem>>
    %dma_start3A_151 = tpu.memref_squeeze %dma_start3A_150 : memref<1x1000x8xf32, #tpu.memory_space<vmem>> -> memref<1000x8xf32, #tpu.memory_space<vmem>>
    %dma_start3A_152 = arith.constant 0 : i32
    %dma_start3A_153 = tpu.memref_slice %arg8[%dma_start3A_147, %dma_start3A_152] : memref<5x1000xi32, #tpu.memory_space<vmem>> -> memref<1x1000xi32, #tpu.memory_space<vmem>>
    %dma_start3A_154 = tpu.memref_squeeze %dma_start3A_153 : memref<1x1000xi32, #tpu.memory_space<vmem>> -> memref<1000xi32, #tpu.memory_space<vmem>>
    %dma_start3A_155 = arith.constant 0 : i32
    %dma_start3A_156 = arith.constant 0 : i32
    %dma_start3A_157 = tpu.memref_slice %arg6[%dma_start3A_155, %dma_start3A_156] : memref<10112x8xf32, #tpu.memory_space<vmem_shared>> -> memref<10112x8xf32, #tpu.memory_space<vmem_shared>>
    tpu.enqueue_indirect_dma source(%dma_start3A_151 : memref<1000x8xf32, #tpu.memory_space<vmem>>) target(%dma_start3A_157 : memref<10112x8xf32, #tpu.memory_space<vmem_shared>>) offsets(%dma_start3A_154 : memref<1000xi32, #tpu.memory_space<vmem>>) semaphore(%arg11 : memref<!tpu.dma_semaphore, #tpu.memory_space<semaphore_mem>>) {add = true}
    %dma_wait3A_158 = arith.constant 4 : i32
    %dma_wait3A_159 = arith.constant 4 : i32
    %dma_wait3A_160 = arith.constant 0 : i32
    %dma_wait3A_161 = arith.constant 0 : i32
    %dma_wait3A_162 = tpu.memref_slice %arg9[%dma_wait3A_159, %dma_wait3A_160, %dma_wait3A_161] : memref<5x1000x8xf32, #tpu.memory_space<vmem>> -> memref<1x1000x8xf32, #tpu.memory_space<vmem>>
    %dma_wait3A_163 = tpu.memref_squeeze %dma_wait3A_162 : memref<1x1000x8xf32, #tpu.memory_space<vmem>> -> memref<1000x8xf32, #tpu.memory_space<vmem>>
    %dma_wait3A_164 = arith.constant 0 : i32
    %dma_wait3A_165 = tpu.memref_slice %arg7[%dma_wait3A_158, %dma_wait3A_164] : memref<5x1000xi32, #tpu.memory_space<vmem>> -> memref<1x1000xi32, #tpu.memory_space<vmem>>
    %dma_wait3A_166 = tpu.memref_squeeze %dma_wait3A_165 : memref<1x1000xi32, #tpu.memory_space<vmem>> -> memref<1000xi32, #tpu.memory_space<vmem>>
    %dma_wait3A_167 = arith.constant 0 : i32
    %dma_wait3A_168 = arith.constant 0 : i32
    %dma_wait3A_169 = tpu.memref_slice %arg2[%dma_wait3A_167, %dma_wait3A_168] : memref<10112x8xf32, #tpu.memory_space<hbm>> -> memref<10112x8xf32, #tpu.memory_space<hbm>>
    tpu.wait_indirect_dma semaphore(%arg10 : memref<!tpu.dma_semaphore, #tpu.memory_space<semaphore_mem>>) src(%dma_wait3A_169 : memref<10112x8xf32, #tpu.memory_space<hbm>>) dst(%dma_wait3A_163 : memref<1000x8xf32, #tpu.memory_space<vmem>>)
    %dma_start3A_170 = arith.constant 4 : i32
    %dma_start3A_171 = arith.constant 4 : i32
    %dma_start3A_172 = arith.constant 0 : i32
    %dma_start3A_173 = arith.constant 0 : i32
    %dma_start3A_174 = tpu.memref_slice %arg9[%dma_start3A_170, %dma_start3A_172, %dma_start3A_173] : memref<5x1000x8xf32, #tpu.memory_space<vmem>> -> memref<1x1000x8xf32, #tpu.memory_space<vmem>>
    %dma_start3A_175 = tpu.memref_squeeze %dma_start3A_174 : memref<1x1000x8xf32, #tpu.memory_space<vmem>> -> memref<1000x8xf32, #tpu.memory_space<vmem>>
    %dma_start3A_176 = arith.constant 0 : i32
    %dma_start3A_177 = tpu.memref_slice %arg8[%dma_start3A_171, %dma_start3A_176] : memref<5x1000xi32, #tpu.memory_space<vmem>> -> memref<1x1000xi32, #tpu.memory_space<vmem>>
    %dma_start3A_178 = tpu.memref_squeeze %dma_start3A_177 : memref<1x1000xi32, #tpu.memory_space<vmem>> -> memref<1000xi32, #tpu.memory_space<vmem>>
    %dma_start3A_179 = arith.constant 0 : i32
    %dma_start3A_180 = arith.constant 0 : i32
    %dma_start3A_181 = tpu.memref_slice %arg6[%dma_start3A_179, %dma_start3A_180] : memref<10112x8xf32, #tpu.memory_space<vmem_shared>> -> memref<10112x8xf32, #tpu.memory_space<vmem_shared>>
    tpu.enqueue_indirect_dma source(%dma_start3A_175 : memref<1000x8xf32, #tpu.memory_space<vmem>>) target(%dma_start3A_181 : memref<10112x8xf32, #tpu.memory_space<vmem_shared>>) offsets(%dma_start3A_178 : memref<1000xi32, #tpu.memory_space<vmem>>) semaphore(%arg11 : memref<!tpu.dma_semaphore, #tpu.memory_space<semaphore_mem>>) {add = true}
    %dma_wait3A_182 = arith.constant 0 : i32
    %dma_wait3A_183 = arith.constant 0 : i32
    %dma_wait3A_184 = arith.constant 0 : i32
    %dma_wait3A_185 = arith.constant 0 : i32
    %dma_wait3A_186 = tpu.memref_slice %arg9[%dma_wait3A_182, %dma_wait3A_184, %dma_wait3A_185] : memref<5x1000x8xf32, #tpu.memory_space<vmem>> -> memref<1x1000x8xf32, #tpu.memory_space<vmem>>
    %dma_wait3A_187 = tpu.memref_squeeze %dma_wait3A_186 : memref<1x1000x8xf32, #tpu.memory_space<vmem>> -> memref<1000x8xf32, #tpu.memory_space<vmem>>
    %dma_wait3A_188 = arith.constant 0 : i32
    %dma_wait3A_189 = tpu.memref_slice %arg8[%dma_wait3A_183, %dma_wait3A_188] : memref<5x1000xi32, #tpu.memory_space<vmem>> -> memref<1x1000xi32, #tpu.memory_space<vmem>>
    %dma_wait3A_190 = tpu.memref_squeeze %dma_wait3A_189 : memref<1x1000xi32, #tpu.memory_space<vmem>> -> memref<1000xi32, #tpu.memory_space<vmem>>
    %dma_wait3A_191 = arith.constant 0 : i32
    %dma_wait3A_192 = arith.constant 0 : i32
    %dma_wait3A_193 = tpu.memref_slice %arg6[%dma_wait3A_191, %dma_wait3A_192] : memref<10112x8xf32, #tpu.memory_space<vmem_shared>> -> memref<10112x8xf32, #tpu.memory_space<vmem_shared>>
    tpu.wait_indirect_dma semaphore(%arg11 : memref<!tpu.dma_semaphore, #tpu.memory_space<semaphore_mem>>) src(%dma_wait3A_187 : memref<1000x8xf32, #tpu.memory_space<vmem>>) dst(%dma_wait3A_193 : memref<10112x8xf32, #tpu.memory_space<vmem_shared>>)
    %dma_wait3A_194 = arith.constant 1 : i32
    %dma_wait3A_195 = arith.constant 1 : i32
    %dma_wait3A_196 = arith.constant 0 : i32
    %dma_wait3A_197 = arith.constant 0 : i32
    %dma_wait3A_198 = tpu.memref_slice %arg9[%dma_wait3A_194, %dma_wait3A_196, %dma_wait3A_197] : memref<5x1000x8xf32, #tpu.memory_space<vmem>> -> memref<1x1000x8xf32, #tpu.memory_space<vmem>>
    %dma_wait3A_199 = tpu.memref_squeeze %dma_wait3A_198 : memref<1x1000x8xf32, #tpu.memory_space<vmem>> -> memref<1000x8xf32, #tpu.memory_space<vmem>>
    %dma_wait3A_200 = arith.constant 0 : i32
    %dma_wait3A_201 = tpu.memref_slice %arg8[%dma_wait3A_195, %dma_wait3A_200] : memref<5x1000xi32, #tpu.memory_space<vmem>> -> memref<1x1000xi32, #tpu.memory_space<vmem>>
    %dma_wait3A_202 = tpu.memref_squeeze %dma_wait3A_201 : memref<1x1000xi32, #tpu.memory_space<vmem>> -> memref<1000xi32, #tpu.memory_space<vmem>>
    %dma_wait3A_203 = arith.constant 0 : i32
    %dma_wait3A_204 = arith.constant 0 : i32
    %dma_wait3A_205 = tpu.memref_slice %arg6[%dma_wait3A_203, %dma_wait3A_204] : memref<10112x8xf32, #tpu.memory_space<vmem_shared>> -> memref<10112x8xf32, #tpu.memory_space<vmem_shared>>
    tpu.wait_indirect_dma semaphore(%arg11 : memref<!tpu.dma_semaphore, #tpu.memory_space<semaphore_mem>>) src(%dma_wait3A_199 : memref<1000x8xf32, #tpu.memory_space<vmem>>) dst(%dma_wait3A_205 : memref<10112x8xf32, #tpu.memory_space<vmem_shared>>)
    %dma_wait3A_206 = arith.constant 2 : i32
    %dma_wait3A_207 = arith.constant 2 : i32
    %dma_wait3A_208 = arith.constant 0 : i32
    %dma_wait3A_209 = arith.constant 0 : i32
    %dma_wait3A_210 = tpu.memref_slice %arg9[%dma_wait3A_206, %dma_wait3A_208, %dma_wait3A_209] : memref<5x1000x8xf32, #tpu.memory_space<vmem>> -> memref<1x1000x8xf32, #tpu.memory_space<vmem>>
    %dma_wait3A_211 = tpu.memref_squeeze %dma_wait3A_210 : memref<1x1000x8xf32, #tpu.memory_space<vmem>> -> memref<1000x8xf32, #tpu.memory_space<vmem>>
    %dma_wait3A_212 = arith.constant 0 : i32
    %dma_wait3A_213 = tpu.memref_slice %arg8[%dma_wait3A_207, %dma_wait3A_212] : memref<5x1000xi32, #tpu.memory_space<vmem>> -> memref<1x1000xi32, #tpu.memory_space<vmem>>
    %dma_wait3A_214 = tpu.memref_squeeze %dma_wait3A_213 : memref<1x1000xi32, #tpu.memory_space<vmem>> -> memref<1000xi32, #tpu.memory_space<vmem>>
    %dma_wait3A_215 = arith.constant 0 : i32
    %dma_wait3A_216 = arith.constant 0 : i32
    %dma_wait3A_217 = tpu.memref_slice %arg6[%dma_wait3A_215, %dma_wait3A_216] : memref<10112x8xf32, #tpu.memory_space<vmem_shared>> -> memref<10112x8xf32, #tpu.memory_space<vmem_shared>>
    tpu.wait_indirect_dma semaphore(%arg11 : memref<!tpu.dma_semaphore, #tpu.memory_space<semaphore_mem>>) src(%dma_wait3A_211 : memref<1000x8xf32, #tpu.memory_space<vmem>>) dst(%dma_wait3A_217 : memref<10112x8xf32, #tpu.memory_space<vmem_shared>>)
    %dma_wait3A_218 = arith.constant 3 : i32
    %dma_wait3A_219 = arith.constant 3 : i32
    %dma_wait3A_220 = arith.constant 0 : i32
    %dma_wait3A_221 = arith.constant 0 : i32
    %dma_wait3A_222 = tpu.memref_slice %arg9[%dma_wait3A_218, %dma_wait3A_220, %dma_wait3A_221] : memref<5x1000x8xf32, #tpu.memory_space<vmem>> -> memref<1x1000x8xf32, #tpu.memory_space<vmem>>
    %dma_wait3A_223 = tpu.memref_squeeze %dma_wait3A_222 : memref<1x1000x8xf32, #tpu.memory_space<vmem>> -> memref<1000x8xf32, #tpu.memory_space<vmem>>
    %dma_wait3A_224 = arith.constant 0 : i32
    %dma_wait3A_225 = tpu.memref_slice %arg8[%dma_wait3A_219, %dma_wait3A_224] : memref<5x1000xi32, #tpu.memory_space<vmem>> -> memref<1x1000xi32, #tpu.memory_space<vmem>>
    %dma_wait3A_226 = tpu.memref_squeeze %dma_wait3A_225 : memref<1x1000xi32, #tpu.memory_space<vmem>> -> memref<1000xi32, #tpu.memory_space<vmem>>
    %dma_wait3A_227 = arith.constant 0 : i32
    %dma_wait3A_228 = arith.constant 0 : i32
    %dma_wait3A_229 = tpu.memref_slice %arg6[%dma_wait3A_227, %dma_wait3A_228] : memref<10112x8xf32, #tpu.memory_space<vmem_shared>> -> memref<10112x8xf32, #tpu.memory_space<vmem_shared>>
    tpu.wait_indirect_dma semaphore(%arg11 : memref<!tpu.dma_semaphore, #tpu.memory_space<semaphore_mem>>) src(%dma_wait3A_223 : memref<1000x8xf32, #tpu.memory_space<vmem>>) dst(%dma_wait3A_229 : memref<10112x8xf32, #tpu.memory_space<vmem_shared>>)
    %dma_wait3A_230 = arith.constant 4 : i32
    %dma_wait3A_231 = arith.constant 4 : i32
    %dma_wait3A_232 = arith.constant 0 : i32
    %dma_wait3A_233 = arith.constant 0 : i32
    %dma_wait3A_234 = tpu.memref_slice %arg9[%dma_wait3A_230, %dma_wait3A_232, %dma_wait3A_233] : memref<5x1000x8xf32, #tpu.memory_space<vmem>> -> memref<1x1000x8xf32, #tpu.memory_space<vmem>>
    %dma_wait3A_235 = tpu.memref_squeeze %dma_wait3A_234 : memref<1x1000x8xf32, #tpu.memory_space<vmem>> -> memref<1000x8xf32, #tpu.memory_space<vmem>>
    %dma_wait3A_236 = arith.constant 0 : i32
    %dma_wait3A_237 = tpu.memref_slice %arg8[%dma_wait3A_231, %dma_wait3A_236] : memref<5x1000xi32, #tpu.memory_space<vmem>> -> memref<1x1000xi32, #tpu.memory_space<vmem>>
    %dma_wait3A_238 = tpu.memref_squeeze %dma_wait3A_237 : memref<1x1000xi32, #tpu.memory_space<vmem>> -> memref<1000xi32, #tpu.memory_space<vmem>>
    %dma_wait3A_239 = arith.constant 0 : i32
    %dma_wait3A_240 = arith.constant 0 : i32
    %dma_wait3A_241 = tpu.memref_slice %arg6[%dma_wait3A_239, %dma_wait3A_240] : memref<10112x8xf32, #tpu.memory_space<vmem_shared>> -> memref<10112x8xf32, #tpu.memory_space<vmem_shared>>
    tpu.wait_indirect_dma semaphore(%arg11 : memref<!tpu.dma_semaphore, #tpu.memory_space<semaphore_mem>>) src(%dma_wait3A_235 : memref<1000x8xf32, #tpu.memory_space<vmem>>) dst(%dma_wait3A_241 : memref<10112x8xf32, #tpu.memory_space<vmem_shared>>)
    %barrier3A_242 = arith.constant 0 : index
    tpu.barrier barrier_id(%barrier3A_242)
    "tpu.region"() ({
      %run_scoped3A_243 = tpu.sem_alloc : memref<!tpu.dma_semaphore, #tpu.memory_space<semaphore_mem>>
      %dma_start3A_244 = arith.constant 0 : i32
      %dma_start3A_245 = arith.constant 0 : i32
      %dma_start3A_246 = tpu.memref_slice %arg5[%arg0, %dma_start3A_244, %dma_start3A_245] : memref<2x10112x8xf32, #tpu.memory_space<hbm>> -> memref<1x10112x8xf32, #tpu.memory_space<hbm>>
      %dma_start3A_247 = tpu.memref_squeeze %dma_start3A_246 : memref<1x10112x8xf32, #tpu.memory_space<hbm>> -> memref<10112x8xf32, #tpu.memory_space<hbm>>
      %dma_start3A_248 = arith.constant 0 : i32
      %dma_start3A_249 = tpu.memref_slice %dma_start3A_247[%mul3A_2, %dma_start3A_248] : memref<10112x8xf32, #tpu.memory_space<hbm>> -> memref<632x8xf32, #tpu.memory_space<hbm>>
      %dma_start3A_250 = arith.constant 0 : i32
      %dma_start3A_251 = tpu.memref_slice %arg6[%mul3A_2, %dma_start3A_250] : memref<10112x8xf32, #tpu.memory_space<vmem_shared>> -> memref<632x8xf32, #tpu.memory_space<vmem_shared>>
      tpu.enqueue_dma source(%dma_start3A_251 : memref<632x8xf32, #tpu.memory_space<vmem_shared>>) target(%dma_start3A_249 : memref<632x8xf32, #tpu.memory_space<hbm>>) target_semaphore(%run_scoped3A_243 : memref<!tpu.dma_semaphore, #tpu.memory_space<semaphore_mem>>)
      %dma_wait3A_252 = arith.constant 0 : i32
      %dma_wait3A_253 = arith.constant 0 : i32
      %dma_wait3A_254 = tpu.memref_slice %arg5[%arg0, %dma_wait3A_252, %dma_wait3A_253] : memref<2x10112x8xf32, #tpu.memory_space<hbm>> -> memref<1x10112x8xf32, #tpu.memory_space<hbm>>
      %dma_wait3A_255 = tpu.memref_squeeze %dma_wait3A_254 : memref<1x10112x8xf32, #tpu.memory_space<hbm>> -> memref<10112x8xf32, #tpu.memory_space<hbm>>
      %dma_wait3A_256 = arith.constant 0 : i32
      %dma_wait3A_257 = tpu.memref_slice %dma_wait3A_255[%mul3A_2, %dma_wait3A_256] : memref<10112x8xf32, #tpu.memory_space<hbm>> -> memref<632x8xf32, #tpu.memory_space<hbm>>
      %dma_wait3A_258 = arith.constant 0 : i32
      %dma_wait3A_259 = tpu.memref_slice %arg6[%mul3A_2, %dma_wait3A_258] : memref<10112x8xf32, #tpu.memory_space<vmem_shared>> -> memref<632x8xf32, #tpu.memory_space<vmem_shared>>
      tpu.wait_dma2 semaphore(%run_scoped3A_243 : memref<!tpu.dma_semaphore, #tpu.memory_space<semaphore_mem>>) src(%dma_wait3A_259 : memref<632x8xf32, #tpu.memory_space<vmem_shared>>) dst(%dma_wait3A_257 : memref<632x8xf32, #tpu.memory_space<hbm>>)
      tpu.yield
    }) : () -> ()
    return
  }
}

module attributes {stable_mosaic.version = 14 : i64} {
  func.func @_tc_linear_body(%arg0: memref<500x10000xf32, #tpu.memory_space<vmem>>, %arg1: memref<500x8xf32, #tpu.memory_space<vmem>>, %arg2: memref<1x8xf32, #tpu.memory_space<vmem>>, %arg3: memref<10112x8xf32, #tpu.memory_space<vmem>>) attributes {dimension_semantics = [], scalar_prefetch = 0 : i64, scratch_operands = 0 : i64, tpu.core_type = #tpu.core_type<tc>} {
    %get3A = arith.constant 0 : index
    %get3A_0 = arith.constant 0 : index
    %get3A_1 = vector.load %arg0[%get3A, %get3A_0] : memref<500x10000xf32, #tpu.memory_space<vmem>>, vector<500x10000xf32>
    %get3A_2 = arith.constant 0 : index
    %get3A_3 = arith.constant 0 : index
    %get3A_4 = vector.load %arg1[%get3A_2, %get3A_3] : memref<500x8xf32, #tpu.memory_space<vmem>>, vector<500x8xf32>
    %dot_general3A = arith.constant dense<0.000000e+00> : vector<10000x8xf32>
    %dot_general3A_5 = tpu.matmul %get3A_1, %get3A_4, %dot_general3A {dimension_numbers = #tpu.dot_dimension_numbers<[0], [0], [1], [1], [0, 1, 1, 1], [], []>, transpose_lhs_hint = false} : vector<500x10000xf32>, vector<500x8xf32>, vector<10000x8xf32> -> vector<10000x8xf32>
    %get3A_6 = arith.constant 0 : index
    %get3A_7 = arith.constant 0 : index
    %get3A_8 = vector.load %arg2[%get3A_6, %get3A_7] : memref<1x8xf32, #tpu.memory_space<vmem>>, vector<1x8xf32>
    %add3A = vector.broadcast %get3A_8 : vector<1x8xf32> to vector<10000x8xf32>
    %add3A_9 = arith.addf %dot_general3A_5, %add3A : vector<10000x8xf32>
    %swap3A = arith.constant 0 : index
    %swap3A_10 = arith.constant 0 : index
    %swap3A_11 = vector.load %arg3[%swap3A, %swap3A_10] : memref<10112x8xf32, #tpu.memory_space<vmem>>, vector<10000x8xf32>
    tpu.vector_store %arg3[%swap3A, %swap3A_10], %add3A_9 {strides = array<i32>} : memref<10112x8xf32, #tpu.memory_space<vmem>>, vector<10000x8xf32>,
    return
  }
}

module attributes {stable_mosaic.version = 14 : i64} {
  func.func @_tc_combine_linear_body(%arg0: memref<2x632x128xf32, #tpu.memory_space<vmem>>, %arg1: memref<128x128xf32, #tpu.memory_space<vmem>>, %arg2: memref<1x128xf32, #tpu.memory_space<vmem>>, %arg3: memref<632x128xf32, #tpu.memory_space<vmem>>) attributes {dimension_semantics = [], scalar_prefetch = 0 : i64, scratch_operands = 0 : i64, tpu.core_type = #tpu.core_type<tc>} {
    %get3A = arith.constant 0 : index
    %get3A_0 = arith.constant 0 : index
    %get3A_1 = arith.constant 0 : index
    %get3A_2 = vector.load %arg0[%get3A, %get3A_0, %get3A_1] : memref<2x632x128xf32, #tpu.memory_space<vmem>>, vector<1x632x128xf32>
    %get3A_3 = vector.shape_cast %get3A_2 : vector<1x632x128xf32> to vector<632x128xf32>
    %get3A_4 = arith.constant 1 : index
    %get3A_5 = arith.constant 0 : index
    %get3A_6 = arith.constant 0 : index
    %get3A_7 = vector.load %arg0[%get3A_4, %get3A_5, %get3A_6] : memref<2x632x128xf32, #tpu.memory_space<vmem>>, vector<1x632x128xf32>
    %get3A_8 = vector.shape_cast %get3A_7 : vector<1x632x128xf32> to vector<632x128xf32>
    %add3A = arith.addf %get3A_3, %get3A_8 : vector<632x128xf32>
    %max3A = arith.constant 0.000000e+00 : f32
    %max3A_9 = vector.broadcast %max3A : f32 to vector<632x128xf32>
    %max3A_10 = arith.maximumf %add3A, %max3A_9 : vector<632x128xf32>
    %get3A_11 = arith.constant 0 : index
    %get3A_12 = arith.constant 0 : index
    %get3A_13 = vector.load %arg1[%get3A_11, %get3A_12] : memref<128x128xf32, #tpu.memory_space<vmem>>, vector<128x128xf32>
    %dot_general3A = arith.constant dense<0.000000e+00> : vector<632x128xf32>
    %dot_general3A_14 = tpu.matmul %max3A_10, %get3A_13, %dot_general3A {dimension_numbers = #tpu.dot_dimension_numbers<[1], [0], [0], [1], [0, 0, 1, 1], [], []>, transpose_lhs_hint = false} : vector<632x128xf32>, vector<128x128xf32>, vector<632x128xf32> -> vector<632x128xf32>
    %get3A_15 = arith.constant 0 : index
    %get3A_16 = arith.constant 0 : index
    %get3A_17 = vector.load %arg2[%get3A_15, %get3A_16] : memref<1x128xf32, #tpu.memory_space<vmem>>, vector<1x128xf32>
    %add3A_18 = vector.broadcast %get3A_17 : vector<1x128xf32> to vector<632x128xf32>
    %add3A_19 = arith.addf %dot_general3A_14, %add3A_18 : vector<632x128xf32>
    %swap3A = arith.constant 0 : index
    %swap3A_20 = arith.constant 0 : index
    %swap3A_21 = vector.load %arg3[%swap3A, %swap3A_20] : memref<632x128xf32, #tpu.memory_space<vmem>>, vector<632x128xf32>
    tpu.vector_store %arg3[%swap3A, %swap3A_20], %add3A_19 {strides = array<i32>} : memref<632x128xf32, #tpu.memory_space<vmem>>, vector<632x128xf32>,
    return
  }
}

module attributes {stable_mosaic.version = 14 : i64} {
  func.func @_tc_combine_body(%arg0: memref<2x632x128xf32, #tpu.memory_space<vmem>>, %arg1: memref<632x128xf32, #tpu.memory_space<vmem>>) attributes {dimension_semantics = [], scalar_prefetch = 0 : i64, scratch_operands = 0 : i64, tpu.core_type = #tpu.core_type<tc>} {
    %get3A = arith.constant 0 : index
    %get3A_0 = arith.constant 0 : index
    %get3A_1 = arith.constant 0 : index
    %get3A_2 = vector.load %arg0[%get3A, %get3A_0, %get3A_1] : memref<2x632x128xf32, #tpu.memory_space<vmem>>, vector<1x632x128xf32>
    %get3A_3 = vector.shape_cast %get3A_2 : vector<1x632x128xf32> to vector<632x128xf32>
    %get3A_4 = arith.constant 1 : index
    %get3A_5 = arith.constant 0 : index
    %get3A_6 = arith.constant 0 : index
    %get3A_7 = vector.load %arg0[%get3A_4, %get3A_5, %get3A_6] : memref<2x632x128xf32, #tpu.memory_space<vmem>>, vector<1x632x128xf32>
    %get3A_8 = vector.shape_cast %get3A_7 : vector<1x632x128xf32> to vector<632x128xf32>
    %add3A = arith.addf %get3A_3, %get3A_8 : vector<632x128xf32>
    %swap3A = arith.constant 0 : index
    %swap3A_9 = arith.constant 0 : index
    %swap3A_10 = vector.load %arg1[%swap3A, %swap3A_9] : memref<632x128xf32, #tpu.memory_space<vmem>>, vector<632x128xf32>
    tpu.vector_store %arg1[%swap3A, %swap3A_9], %add3A {strides = array<i32>} : memref<632x128xf32, #tpu.memory_space<vmem>>, vector<632x128xf32>,
    return
  }
}

</mosaic_0001>

<sc_bundles>
// kernel: kernel.10.cloned.1.call-start
scs
__scs_entry_jumppad:
0x0: {  	(pc) =	sbr.rel $0x88, $3  }
0x1: {  	(tag) =	ssettag $0x0;
	lr =	simm.s32 $0x1  }
0x2: {  	[smem:$0x3F9B] =	sst lr;
	_ =	strace $0xD0000000  }
0x3: {  	_ = 	snop  }
0x4: {  	_ = 	snop  }
0x5: {  	_ = 	snop  }
0x6: {  	_ = 	snop  }
0x7: {  	_ = 	snop  }
__scs_overlays_trampoline_lowered:
0x8: {  	[smem:$0x3FAA] =	sst s0  }
0x9: {  	[smem:$0x3FAB] =	sst s1  }
0xa: {  	[smem:$0x3FAC] =	sst s2  }
0xb: {  	[smem:$0x3FAD] =	sst s3  }
0xc: {  	[smem:$0x3FAE] =	sst s4  }
0xd: {  	[smem:$0x3FAF] =	sst s5  }
0xe: {  	[smem:$0x3FB0] =	sst s6  }
0xf: {  	[smem:$0x3FB1] =	sst s7  }
0x10: {  	[smem:$0x3FB2] =	sst s8  }
0x11: {  	[smem:$0x3FB3] =	sst s9;
	s0 =	simm.s32 @!p0 $0x0  }
0x12: {  	s1 =	sld [smem:$0x3F99];
	s0 =	simm.s32 @p0 $0x1  }
0x13: {  	[smem:$0x3FB4] =	sst s0;
	s0 =	simm.s32 @!p1 $0x0  }
0x14: {  	s2 =	sld [smem:$0x3F98];
	s0 =	simm.s32 @p1 $0x1  }
0x15: {  	[smem:$0x3FB5] =	sst s0;
	s0 =	simm.s32 @!p2 $0x0  }
0x16: {  	s3 =	sld [smem:$0x3FDB];
	s0 =	simm.s32 @p2 $0x1  }
0x17: {  	s4 =	simm.s32 $0x1BF5;
	[smem:$0x3FB7] =	sst s0  }
0x18: {  	s0 =	sld [smem:$0x3F9A];
	_ =	swait.ge [sflag:s4], $0x0  }
0x19: {  	s7 =	sld [smem:$0x3F9B]  }
0x1a: {  	s8 =	sadd.s32 $0xFFFFE003, lr  }
0x1b: {  	s9 =	sadd.s32 $0xFFFFFEF7, lr;
	s5 =	simm.s32 $0xFFFFFFFF;
	p2 =	slt.u32 s8, $0xFFFFF086  }
0x1c: {  	p1 =	slt.u32 s9, $0xF7A;
	s5 =	simm.s32 @!p2 $0x0  }
0x1d: {  	s5 =	simm.s32 @p1 $0x1;
	p0 =	seq.s32 s7, s2  }
0x1e: {  	s7 =	smul.u32 @!p0 $0xF7A, s2;
	p2 =	seq.s32 @!p0 s5, $0x0  }
0x1f: {  	s9 =	smul.u32 $0xF7A, s1;
	s8 =	simm.s32 @!p0 $0x1BF5;
	p2 =	por !p2, p0  }
0x20: {  	[sflag:s8] =	ssyncset.s32 @!p0 $0xFFFFF086;
	s6 =	sadd.s32 @!p0 s3, s7;
	s7 =	simm.s32 @!p0 $0x108  }
0x21: {  	s3 =	sadd.s32 s3, s9;
	s6 =	sadd.s32 @!p0 $0x88, s6;
	s7 =	simm.s32 @p2 $0x1082  }
0x22: {  	[simem:s7], [sflag:s8] =	dma.local @!p0 [hbm:s6], $0xF7A  }
0x23: {  	s9 =	sor.u32 $0xD0000000, s2;
	s6 =	simm.s32 $0x108;
	_ =	swait.ge @!p0 [sflag:s8], $0x0  }
0x24: {  	s3 =	sadd.s32 $0x88, s3;
	s6 =	simm.s32 @!p1 $0x1082;
	[sflag:s4] =	ssyncset.s32 $0xFFFFF086  }
0x25: {  	[simem:s6], [sflag:s4] =	dma.local [hbm:s3], $0xF7A  }
0x26: {  	[smem:$0x3F9B] =	sst s1;
	(tag) =	ssettag s2;
	_ =	strace s9  }
0x27: {  	s1 =	sld [smem:$0x3FAB]  }
0x28: {  	s2 =	sld [smem:$0x3FAC]  }
0x29: {  	s4 =	sld [smem:$0x3FAE]  }
0x2a: {  	p0 =	seq.s32 s5, $0x0;
	s5 =	sld [smem:$0x3FAF]  }
0x2b: {  	s6 =	sld [smem:$0x3FB0]  }
0x2c: {  	s7 =	sld [smem:$0x3FB1]  }
0x2d: {  	s3 =	simm.s32 $0x108;
	s8 =	sld [smem:$0x3FB2]  }
0x2e: {  	s3 =	simm.s32 @!p0 $0x1082;
	s9 =	sld [smem:$0x3FB3]  }
0x2f: {  	lr =	sadd.s32 s0, s3;
	s0 =	sld [smem:$0x3FAA]  }
0x30: {  	s3 =	sld [smem:$0x3FAD]  }
0x31: {  	[smem:$0x3FB6] =	sst s10  }
0x32: {  	s10 =	sld [smem:$0x3FB4];
	_ =	sdelay $0x3  }
0x33: {  	p0 =	seq.s32 s10, $0x1;
	s10 =	sld [smem:$0x3FB6];
	_ =	sdelay $0x3  }
0x34: {  	[smem:$0x3FB6] =	sst s10  }
0x35: {  	s10 =	sld [smem:$0x3FB5];
	_ =	sdelay $0x3  }
0x36: {  	p1 =	seq.s32 s10, $0x1;
	s10 =	sld [smem:$0x3FB6];
	_ =	sdelay $0x3  }
0x37: {  	[smem:$0x3FB6] =	sst s10  }
0x38: {  	s10 =	sld [smem:$0x3FB7]  }
0x39: {  	_ = 	snop;
	(pc) =	sbr.ind lr, $3  }
0x3a: {  	_ = 	snop  }
0x3b: {  	_ = 	snop  }
0x3c: {  	p2 =	seq.s32 s10, $0x1;
	s10 =	sld [smem:$0x3FB6]  }
0x3d: {  	_ =	shalt  }
0x3e: {  	_ =	shalt  }
0x3f: {  	_ =	shalt  }
0x40: {  	_ =	shalt  }
0x41: {  	_ =	shalt  }
0x42: {  	_ =	shalt  }
0x43: {  	_ =	shalt  }
0x44: {  	_ =	shalt  }
0x45: {  	_ =	shalt  }
0x46: {  	_ =	shalt  }
0x47: {  	_ =	shalt  }
0x48: {  	_ =	shalt  }
0x49: {  	_ =	shalt  }
0x4a: {  	_ =	shalt  }
0x4b: {  	_ =	shalt  }
0x4c: {  	_ =	shalt  }
0x4d: {  	_ =	shalt  }
0x4e: {  	_ =	shalt  }
0x4f: {  	_ =	shalt  }
0x50: {  	_ =	shalt  }
0x51: {  	_ =	shalt  }
0x52: {  	_ =	shalt  }
0x53: {  	_ =	shalt  }
0x54: {  	_ =	shalt  }
0x55: {  	_ =	shalt  }
0x56: {  	_ =	shalt  }
0x57: {  	_ =	shalt  }
0x58: {  	_ =	shalt  }
0x59: {  	_ =	shalt  }
0x5a: {  	_ =	shalt  }
0x5b: {  	_ =	shalt  }
0x5c: {  	_ =	shalt  }
0x5d: {  	_ =	shalt  }
0x5e: {  	_ =	shalt  }
0x5f: {  	_ =	shalt  }
0x60: {  	_ =	shalt  }
0x61: {  	_ =	shalt  }
0x62: {  	_ =	shalt  }
0x63: {  	_ =	shalt  }
0x64: {  	_ =	shalt  }
0x65: {  	_ =	shalt  }
0x66: {  	_ =	shalt  }
0x67: {  	_ =	shalt  }
0x68: {  	_ =	shalt  }
0x69: {  	_ =	shalt  }
0x6a: {  	_ =	shalt  }
0x6b: {  	_ =	shalt  }
0x6c: {  	_ =	shalt  }
0x6d: {  	_ =	shalt  }
0x6e: {  	_ =	shalt  }
0x6f: {  	_ =	shalt  }
0x70: {  	_ =	shalt  }
0x71: {  	_ =	shalt  }
0x72: {  	_ =	shalt  }
0x73: {  	_ =	shalt  }
0x74: {  	_ =	shalt  }
0x75: {  	_ =	shalt  }
0x76: {  	_ =	shalt  }
0x77: {  	_ =	shalt  }
0x78: {  	_ =	shalt  }
0x79: {  	_ =	shalt  }
0x7a: {  	_ =	shalt  }
0x7b: {  	_ =	shalt  }
0x7c: {  	_ =	shalt  }
0x7d: {  	_ =	shalt  }
0x7e: {  	_ =	shalt  }
0x7f: {  	_ =	shalt  }
0x80: {  	_ =	shalt  }
0x81: {  	_ =	shalt  }
0x82: {  	_ =	shalt  }
0x83: {  	_ =	shalt  }
0x84: {  	_ =	shalt  }
0x85: {  	_ =	shalt  }
0x86: {  	_ =	shalt  }
0x87: {  	_ =	shalt  }
.Lfunc_end0:
.L_simem_size_0:
called_computation.1_lowered:
.L_overlay_start_0:
0x88: {  	s2 =	sld [smem:$0x3FD9]  }
0x89: {  	s3 =	sld [smem:$0x3FFE];
	_ =	sdelay $0x1  }
0x8a: {  	s1 =	srdreg.scid  }
0x8b: {  	s0 =	sand.u32 $0x1, s1  }
0x8c: {  	s16 =	sshll.u32 s0, $0xA;
	s2 =	sadd.s32 s3, s2  }
0x8d: {  	s2 =	sadd.s32 s2, s16  }
0x8e: {  	[smem:$0x3FC2] =	sst s2  }
0x8f: {  	_ = 	snop  }
0x90: {  	(tm) =	ssettm $0x1  }
0x91: {  	s17 =	sld [smem:$0x3FFB];
	_ =	sdelay $0x3  }
0x92: {  	_ =	strace s17  }
0x93: {  	s2 =	sld [smem:$0x3FFC];
	_ =	sdelay $0x3  }
0x94: {  	_ =	strace s2  }
0x95: {  	s2 =	sld [smem:$0x3FFD];
	_ =	sdelay $0x3  }
0x96: {  	_ =	strace s2  }
0x97: {  	_ =	strace $0x8FFFFFFF  }
0x98: {  	s18 =	sld [smem:$0x3FDB];
	_ =	sdelay $0x1  }
0x99: {  	s19 =	simm.s32 $_scs_section_size  }
0x9a: {  	s4 =	simm.s32 $_size__tile_overlayer_lowered;
	s5 =	simm.s32 $_tile_overlayer_lowered  }
0x9b: {  	s22 =	simm.s32 $0x1BFF;
	s21 =	sshll.u32 s5, $0x1;
	s2 =	sadd.s32 s19, s18  }
0x9c: {  	s6 =	simm.s32 $0x0;
	s20 =	sshll.u32 s4, $0x1;
	s4 =	sadd.s32 s21, s2  }
0x9d: {  	[timem:s6], [sflag:s22] =	dma.local [hbm:s4], s20  }
0x9e: {  	_ =	swait.ge [sflag:s22], s20  }
0x9f: {  	s3 =	ssub.s32 $0x0, s20;
	[sflag:s22] =	ssyncset.done $0x0  }
0xa0: {  	[sflag:s22] =	ssyncadd.s32 s3;
	_ =	sdelay $0x1  }
0xa1: {  	s23 =	simm.s32 $0x1B8B  }
0xa2: {  	_ =	swait.ge [sflag:s23], $0x1  }
0xa3: {  	[sflag:s23] =	ssyncset.done $0x0  }
0xa4: {  	s25 =	simm.s32 $0x1B8E;
	s24 =	sld [smem:$0x3FFE];
	[sflag:s23] =	ssyncadd.s32 $0xFFFFFFFF  }
0xa5: {  	s26 =	simm.s32 $execute0_lowered;
	[smem:$0x3FD2] =	sst s25  }
0xa6: {  	s4 =	sshll.u32 s26, $0x1;
	_ =	strace $0x80000049;
	[dreg:$0x1] =	wrdreg $0xFFFFFFFF  }
0xa7: {  	s28 =	simm.s32 $_size_execute0_lowered;
	s2 =	sadd.s32 s2, s4;
	[dreg:$0x0] =	wrdreg $0x0  }
0xa8: {  	s4 =	sshll.u32 s28, $0x1;
	[dreg:$0x2] =	wrdreg s2  }
0xa9: {  	[dreg:$0x3] =	wrdreg s4  }
0xaa: {  	[dreg:$0x4] =	wrdreg $0xC0  }
0xab: {  	_ =	task [dreg:s6], $0x5FFFF  }
0xac: {  	[dreg:$0x1] =	wrdreg $0xFFFFFFFF  }
0xad: {  	[dreg:$0x0] =	wrdreg $0x60  }
0xae: {  	[dreg:$0x2] =	wrdreg s24  }
0xaf: {  	[dreg:$0x3] =	wrdreg $0x0  }
0xb0: {  	[dreg:$0x4] =	wrdreg $0x9  }
0xb1: {  	_ =	task.clear_ibuf [dreg:s6], $0x5FFFF;
	_ =	strace $0x90000049  }
0xb2: {  	s29 =	simm.s32 $0x9;
	_ =	strace $0x8000004B  }
0xb3: {  	_ =	swait.ge [sflag:s29], $0x1  }
0xb4: {  	[sflag:s29] =	ssyncadd.s32 $0xFFFFFFFF  }
0xb5: {  	_ =	strace $0x9000004B  }
0xb6: {  	_ =	sfence  }
0xb7: {  	s30 =	sld [smem:$0x0];
	_ =	sdelay $0x2  }
0xb8: {  	s31 =	sshll.u32 s1, $0xD;
	s1 =	sshrl.u32 s1, $0x2  }
0xb9: {  	s3 =	sand.u32 $0x4000, s31;
	s1 =	sadd.s32 s1, s30  }
0xba: {  	s0 =	sor.u32 s3, s0;
	s1 =	sshll.u32 s1, $0x11  }
0xbb: {  	s0 =	sor.u32 s1, s0  }
0xbc: {  	s0 =	sadd.s32 $0x8F2B, s0  }
0xbd: {  	[sflag:s0] =	ssyncadd.remote.s32 $0x1  }
0xbe: {  	_ =	sfence.sel $0xFFFF  }
0xbf: {  	[dreg:$0x0] =	wrdreg $0xFFFFFFFF;
	(pc) =	sbr.abs _section_cstart, $3  }
0xc0: {  	[dreg:$0x1] =	wrdreg $0xFFFFFFFF  }
0xc1: {  	_ =	task.clear_ibuf [dreg:s6], $0x2FFFF;
	_ =	strace $0x9FFFFFFF  }
0xc2: {  	(tm) =	ssettm $0x7FFFFFFF  }
0xc3: {  	_ =	shalt  }
tec
execute0_lowered:
.L_overlay_start_1:
0x0: {  	(tag) =	ssettag $0x1  }
0x1: {  	s0 =	srdreg.scid  }
0x2: {  	s31 =	sand.u32 $0x1, s0  }
0x3: {  	s26 =	stileid.u32;
	s1 =	sshll.u32 s31, $0x4  }
0x4: {  	s1 =	sor.u32 s26, s1  }
0x5: {  	s30 =	rddreg [dreg:$0x0];
	s1 =	smul.u32 $0x271, s1  }
0x6: {  	s2 =	rddreg [dreg:$0x1];
	s3 =	simm.s32 $0x0  }
0x7: {  	s6 =	simm.s32 $0x13C0;
	[smem:$0x7FF] =	sst s3;
	s4 =	sadd.s32 s1, s30  }
0x8: {  	s5 =	simm.s32 $0x3;
	_ =	strace $0x8000004A;
	s4 =	sadd.s32 $0x3E00, s4  }
0x9: {  	[tilespmem:s6], [sflag:$0x3] =	stream.linear.gather [hbm4b:s4+s3], $0x1388, $0x38;
	[tilespmem:$0xD710] =	vst v63  }
0xa: {  	_ =	swait.ge [sflag:s5], $0x1388  }
0xb: {  	s8 =	simm.s32 $0x2748;
	s7 =	sadd.s32 $0x8C20, s30;
	[sflag:s5] =	ssyncset.done $0x0  }
0xc: {  	s10 =	smul.u32 $0x13C0, s26;
	s7 =	sadd.s32 s1, s7;
	[sflag:s5] =	ssyncadd.s32 $0xFFFFEC78  }
0xd: {  	[tilespmem:s8], [sflag:$0x3] =	stream.linear.gather [hbm4b:s7+s3], $0x1388, $0x38;
	[tilespmem:$0xD710] =	vst v63  }
0xe: {  	s11 =	simm.s32 $0x3AD0;
	s13 =	simm.s32 $0x17A8;
	_ =	swait.ge [sflag:s5], $0x1388  }
0xf: {  	s9 =	sadd.s32 $0x1600, s30;
	s22 =	sadd.s32 s10, s2;
	[sflag:s5] =	ssyncset.done $0x0  }
0x10: {  	s1 =	sshrl.u32 s10, $0x3;
	s10 =	simm.s32 $0x3E8;
	[sflag:s5] =	ssyncadd.s32 $0xFFFFEC78  }
0x11: {  	[tilespmem:s11], [sflag:$0x1] =	stream.indirect.gather [hbm4b:s9+s10], $0x8, s6, s10, $0xb8;
	[tilespmem:$0xD710] =	vst v63  }
0x12: {  	s14 =	simm.s32 $0x5A10;
	s15 =	simm.s32 $0x1B90;
	s16 =	simm.s32 $0x7950  }
0x13: {  	[tilespmem:s14], [sflag:$0x1] =	stream.indirect.gather [hbm4b:s9+s10], $0x8, s13, s10, $0xb8;
	[tilespmem:$0xD710] =	vst v63  }
0x14: {  	s17 =	simm.s32 $0x1F78;
	s18 =	simm.s32 $0x9890;
	s19 =	simm.s32 $0x2360  }
0x15: {  	[tilespmem:s16], [sflag:$0x1] =	stream.indirect.gather [hbm4b:s9+s10], $0x8, s15, s10, $0xb8;
	[tilespmem:$0xD710] =	vst v63  }
0x16: {  	s20 =	simm.s32 $0xB7D0;
	s21 =	sshll.u32 s26, $0x6;
	s12 =	sadd.s32 s1, s30  }
0x17: {  	[tilespmem:s18], [sflag:$0x1] =	stream.indirect.gather [hbm4b:s9+s10], $0x8, s17, s10, $0xb8;
	[tilespmem:$0xD710] =	vst v63  }
0x18: {  	s21 =	sor.u32 $0x1C03, s21;
	s22 =	sshrl.u32 s22, $0x3;
	s12 =	sadd.s32 $0xDC00, s12  }
0x19: {  	[tilespmem:s20], [sflag:$0x1] =	stream.indirect.gather [hbm4b:s9+s10], $0x8, s19, s10, $0xb8;
	[tilespmem:$0xD710] =	vst v63  }
0x1a: {  	[spmem:s22], [sflag:s21] =	dma.local [hbm:s12], $0x278  }
0x1b: {  	_ =	swait.ge [sflag:s5], $0x278  }
0x1c: {  	[sflag:s5] =	ssyncset.done $0x0  }
0x1d: {  	[sflag:s5] =	ssyncadd.s32 $0xFFFFFD88  }
0x1e: {  	s23 =	simm.s32 $0x1;
	[bflag:$0x0] =	sbarrier.arrive $0xFFFF  }
0x1f: {  	_ =	swait.ge [sflag:s23], $0x1F40  }
0x20: {  	[sflag:s23] =	ssyncset.done $0x0  }
0x21: {  	[sflag:s23] =	ssyncadd.s32 $0xFFFFE0C0  }
0x22: {  	[spmem:s2] =	stream.indirect.scatter.add.f32 [tilespmem:s11], [sflag:$0x2], $0x8, s8, s10, $0xb8;
	[tilespmem:$0xD710] =	vst v63  }
0x23: {  	_ =	swait.ge [sflag:s23], $0x1F40  }
0x24: {  	[sflag:s23] =	ssyncset.done $0x0  }
0x25: {  	s24 =	simm.s32 $0x2B30;
	[sflag:s23] =	ssyncadd.s32 $0xFFFFE0C0  }
0x26: {  	[spmem:s2] =	stream.indirect.scatter.add.f32 [tilespmem:s14], [sflag:$0x2], $0x8, s24, s10, $0xb8;
	[tilespmem:$0xD710] =	vst v63  }
0x27: {  	_ =	swait.ge [sflag:s23], $0x1F40  }
0x28: {  	[sflag:s23] =	ssyncset.done $0x0  }
0x29: {  	s25 =	simm.s32 $0x2F18;
	[sflag:s23] =	ssyncadd.s32 $0xFFFFE0C0  }
0x2a: {  	[spmem:s2] =	stream.indirect.scatter.add.f32 [tilespmem:s16], [sflag:$0x2], $0x8, s25, s10, $0xb8;
	[tilespmem:$0xD710] =	vst v63  }
0x2b: {  	_ =	swait.ge [sflag:s23], $0x1F40  }
0x2c: {  	[sflag:s23] =	ssyncset.done $0x0  }
0x2d: {  	s26 =	simm.s32 $0x3300;
	[sflag:s23] =	ssyncadd.s32 $0xFFFFE0C0  }
0x2e: {  	[spmem:s2] =	stream.indirect.scatter.add.f32 [tilespmem:s18], [sflag:$0x2], $0x8, s26, s10, $0xb8;
	[tilespmem:$0xD710] =	vst v63  }
0x2f: {  	_ =	swait.ge [sflag:s23], $0x1F40  }
0x30: {  	[sflag:s23] =	ssyncset.done $0x0  }
0x31: {  	s28 =	simm.s32 $0x36E8;
	s29 =	simm.s32 $0x2;
	[sflag:s23] =	ssyncadd.s32 $0xFFFFE0C0  }
0x32: {  	[spmem:s2] =	stream.indirect.scatter.add.f32 [tilespmem:s20], [sflag:$0x2], $0x8, s28, s10, $0xb8;
	[tilespmem:$0xD710] =	vst v63  }
0x33: {  	_ =	swait.ge [sflag:s29], $0x1F40  }
0x34: {  	[sflag:s29] =	ssyncset.done $0x0  }
0x35: {  	[sflag:s29] =	ssyncadd.s32 $0xFFFFE0C0  }
0x36: {  	_ =	swait.ge [sflag:s29], $0x1F40  }
0x37: {  	[sflag:s29] =	ssyncset.done $0x0  }
0x38: {  	[sflag:s29] =	ssyncadd.s32 $0xFFFFE0C0  }
0x39: {  	_ =	swait.ge [sflag:s29], $0x1F40  }
0x3a: {  	[sflag:s29] =	ssyncset.done $0x0  }
0x3b: {  	s0 =	smul.u32 $0x2780, s31;
	[sflag:s29] =	ssyncadd.s32 $0xFFFFE0C0  }
0x3c: {  	s31 =	ssub.s32 $0x2, s31;
	_ =	swait.ge [sflag:s29], $0x1F40  }
0x3d: {  	s0 =	sadd.s32 s0, s30;
	s30 =	sshrl.u32 s31, $0x1;
	[sflag:s29] =	ssyncset.done $0x0  }
0x3e: {  	s0 =	sadd.s32 $0x10400, s0;
	s31 =	ssub.s32 s31, s30;
	[sflag:s29] =	ssyncadd.s32 $0xFFFFE0C0  }
0x3f: {  	s30 =	sadd.s32 s1, s0;
	s1 =	smax.u32 s31, $0x1;
	_ =	swait.ge [sflag:s29], $0x1F40  }
0x40: {  	p0 =	sne.s32 s1, $0x1;
	[sflag:s29] =	ssyncset.done $0x0  }
.Ltmp0:
0x41: {  	[sflag:s29] =	ssyncadd.s32 $0xFFFFE0C0;
	(pc) =	sbr.rel @!p0 .LBB2_2-.Ltmp0, $4  }
0x42: {  	[bflag:$0x0] =	sbarrier.arrive $0xFFFF  }
0x43: {  	[hbm:s30], [sflag:s21] =	dma.local [spmem:s22], $0x278  }
0x44: {  	_ =	swait.ge [sflag:s5], $0x278  }
0x45: {  	s31 =	sadd.s32 $0xFFFFFFFF, s1;
	[sflag:s5] =	ssyncset.done $0x0  }
.LBB2_1:
0x46: {  	p0 =	sne.s32 s31, $0x1;
	s31 =	sadd.s32 $0xFFFFFFFF, s31;
	[sflag:s5] =	ssyncadd.s32 $0xFFFFFD88  }
0x47: {  	[tilespmem:s6], [sflag:$0x3] =	stream.linear.gather [hbm4b:s4+s3], $0x1388, $0x38;
	[tilespmem:$0xD710] =	vst v63  }
0x48: {  	_ =	swait.ge [sflag:s5], $0x1388  }
0x49: {  	[sflag:s5] =	ssyncset.done $0x0  }
0x4a: {  	[sflag:s5] =	ssyncadd.s32 $0xFFFFEC78  }
0x4b: {  	[tilespmem:s8], [sflag:$0x3] =	stream.linear.gather [hbm4b:s7+s3], $0x1388, $0x38;
	[tilespmem:$0xD710] =	vst v63  }
0x4c: {  	_ =	swait.ge [sflag:s5], $0x1388  }
0x4d: {  	[sflag:s5] =	ssyncset.done $0x0  }
0x4e: {  	[sflag:s5] =	ssyncadd.s32 $0xFFFFEC78  }
0x4f: {  	[tilespmem:s11], [sflag:$0x1] =	stream.indirect.gather [hbm4b:s9+s10], $0x8, s6, s10, $0xb8;
	[tilespmem:$0xD710] =	vst v63  }
0x50: {  	_ = 	snop  }
0x51: {  	[tilespmem:s14], [sflag:$0x1] =	stream.indirect.gather [hbm4b:s9+s10], $0x8, s13, s10, $0xb8;
	[tilespmem:$0xD710] =	vst v63  }
0x52: {  	_ = 	snop  }
0x53: {  	[tilespmem:s16], [sflag:$0x1] =	stream.indirect.gather [hbm4b:s9+s10], $0x8, s15, s10, $0xb8;
	[tilespmem:$0xD710] =	vst v63  }
0x54: {  	_ = 	snop  }
0x55: {  	[tilespmem:s18], [sflag:$0x1] =	stream.indirect.gather [hbm4b:s9+s10], $0x8, s17, s10, $0xb8;
	[tilespmem:$0xD710] =	vst v63  }
0x56: {  	_ = 	snop  }
0x57: {  	[tilespmem:s20], [sflag:$0x1] =	stream.indirect.gather [hbm4b:s9+s10], $0x8, s19, s10, $0xb8;
	[tilespmem:$0xD710] =	vst v63  }
0x58: {  	[spmem:s22], [sflag:s21] =	dma.local [hbm:s12], $0x278  }
0x59: {  	_ =	swait.ge [sflag:s5], $0x278  }
0x5a: {  	[sflag:s5] =	ssyncset.done $0x0  }
0x5b: {  	[sflag:s5] =	ssyncadd.s32 $0xFFFFFD88  }
0x5c: {  	[bflag:$0x0] =	sbarrier.arrive $0xFFFF  }
0x5d: {  	_ =	swait.ge [sflag:s23], $0x1F40  }
0x5e: {  	[sflag:s23] =	ssyncset.done $0x0  }
0x5f: {  	[sflag:s23] =	ssyncadd.s32 $0xFFFFE0C0  }
0x60: {  	[spmem:s2] =	stream.indirect.scatter.add.f32 [tilespmem:s11], [sflag:$0x2], $0x8, s8, s10, $0xb8;
	[tilespmem:$0xD710] =	vst v63  }
0x61: {  	_ =	swait.ge [sflag:s23], $0x1F40  }
0x62: {  	[sflag:s23] =	ssyncset.done $0x0  }
0x63: {  	[sflag:s23] =	ssyncadd.s32 $0xFFFFE0C0  }
0x64: {  	[spmem:s2] =	stream.indirect.scatter.add.f32 [tilespmem:s14], [sflag:$0x2], $0x8, s24, s10, $0xb8;
	[tilespmem:$0xD710] =	vst v63  }
0x65: {  	_ =	swait.ge [sflag:s23], $0x1F40  }
0x66: {  	[sflag:s23] =	ssyncset.done $0x0  }
0x67: {  	[sflag:s23] =	ssyncadd.s32 $0xFFFFE0C0  }
0x68: {  	[spmem:s2] =	stream.indirect.scatter.add.f32 [tilespmem:s16], [sflag:$0x2], $0x8, s25, s10, $0xb8;
	[tilespmem:$0xD710] =	vst v63  }
0x69: {  	_ =	swait.ge [sflag:s23], $0x1F40  }
0x6a: {  	[sflag:s23] =	ssyncset.done $0x0  }
0x6b: {  	[sflag:s23] =	ssyncadd.s32 $0xFFFFE0C0  }
0x6c: {  	[spmem:s2] =	stream.indirect.scatter.add.f32 [tilespmem:s18], [sflag:$0x2], $0x8, s26, s10, $0xb8;
	[tilespmem:$0xD710] =	vst v63  }
0x6d: {  	_ =	swait.ge [sflag:s23], $0x1F40  }
0x6e: {  	[sflag:s23] =	ssyncset.done $0x0  }
0x6f: {  	[sflag:s23] =	ssyncadd.s32 $0xFFFFE0C0  }
0x70: {  	[spmem:s2] =	stream.indirect.scatter.add.f32 [tilespmem:s20], [sflag:$0x2], $0x8, s28, s10, $0xb8;
	[tilespmem:$0xD710] =	vst v63  }
0x71: {  	_ =	swait.ge [sflag:s29], $0x1F40  }
0x72: {  	[sflag:s29] =	ssyncset.done $0x0  }
0x73: {  	[sflag:s29] =	ssyncadd.s32 $0xFFFFE0C0  }
0x74: {  	_ =	swait.ge [sflag:s29], $0x1F40  }
0x75: {  	[sflag:s29] =	ssyncset.done $0x0  }
0x76: {  	[sflag:s29] =	ssyncadd.s32 $0xFFFFE0C0  }
0x77: {  	_ =	swait.ge [sflag:s29], $0x1F40  }
0x78: {  	[sflag:s29] =	ssyncset.done $0x0  }
0x79: {  	[sflag:s29] =	ssyncadd.s32 $0xFFFFE0C0  }
0x7a: {  	_ =	swait.ge [sflag:s29], $0x1F40  }
0x7b: {  	[sflag:s29] =	ssyncset.done $0x0  }
0x7c: {  	[sflag:s29] =	ssyncadd.s32 $0xFFFFE0C0  }
0x7d: {  	_ =	swait.ge [sflag:s29], $0x1F40  }
0x7e: {  	[sflag:s29] =	ssyncset.done $0x0  }
.Ltmp1:
0x7f: {  	[sflag:s29] =	ssyncadd.s32 $0xFFFFE0C0;
	(pc) =	sbr.rel @p0 .LBB2_1-.Ltmp1, $4  }
0x80: {  	[bflag:$0x0] =	sbarrier.arrive $0xFFFF  }
0x81: {  	[hbm:s30], [sflag:s21] =	dma.local [spmem:s22], $0x278  }
0x82: {  	_ =	swait.ge [sflag:s5], $0x278  }
0x83: {  	[sflag:s5] =	ssyncset.done $0x0  }
.LBB2_2:
0x84: {  	[sflag:s5] =	ssyncadd.s32 $0xFFFFFD88  }
0x85: {  	_ =	sfence.sel $0x180000  }
0x86: {  	[bflag:$0x0] =	sbarrier.arrive $0xFFFF  }
0x87: {  	_ =	strace $0x9000004A  }
0x88: {  	s0 =	stileid.u32;
	[bflag:$0x2] =	sbarrier.arrive $0xFFFF  }
0x89: {  	p0 =	sne.s32 s0, $0x0;
	s0 =	rddreg [dreg:$0x2]  }
0x8a: {  	s0 =	sadd.s32 @!p0 $0x100000, s0  }
0x8b: {  	[sflag:s0] =	ssyncadd.tile.s32 @!p0 $0x1;
	_ =	shalt  }
.Lfunc_end2:
_tile_overlayer_lowered:
.L_overlay_start_2:
0x8c: {  	(tag) =	ssettag $0x2  }
0x8d: {  	s0 =	rddreg [dreg:$0x0];
	s2 =	stileid.u32  }
0x8e: {  	s1 =	rddreg [dreg:$0x1];
	p0 =	sne.s32 s2, $0x0  }
0x8f: {  	s3 =	rddreg [dreg:$0x2];
	[bflag:$0x3] =	sbarrier.arrive $0xFFFF;
	s2 =	simm.s32 @!p0 $0x1C03  }
0x90: {  	[timem:s3], [sflag:s2] =	dma.local @!p0 [hbm:s0], s1  }
0x91: {  	s0 =	simm.s32 @!p0 $0x3  }
0x92: {  	_ =	swait.ge @!p0 [sflag:s0], s1  }
0x93: {  	s1 =	ssub.s32 @!p0 $0x0, s1;
	[sflag:s0] =	ssyncset.done @!p0 $0x0  }
0x94: {  	[sflag:s0] =	ssyncadd.s32 @!p0 s1  }
0x95: {  	[bflag:$0x3] =	sbarrier.arrive $0xFFFF  }
0x96: {  	_ =	shalt  }

// kernel: kernel.7.cloned.1.call-start
scs
__scs_entry_jumppad:
0x0: {  	(pc) =	sbr.rel $0x88, $3  }
0x1: {  	(tag) =	ssettag $0x0;
	lr =	simm.s32 $0x1  }
0x2: {  	[smem:$0x3F9B] =	sst lr;
	_ =	strace $0xD0000000  }
0x3: {  	_ = 	snop  }
0x4: {  	_ = 	snop  }
0x5: {  	_ = 	snop  }
0x6: {  	_ = 	snop  }
0x7: {  	_ = 	snop  }
__scs_overlays_trampoline_lowered:
0x8: {  	[smem:$0x3FAA] =	sst s0  }
0x9: {  	[smem:$0x3FAB] =	sst s1  }
0xa: {  	[smem:$0x3FAC] =	sst s2  }
0xb: {  	[smem:$0x3FAD] =	sst s3  }
0xc: {  	[smem:$0x3FAE] =	sst s4  }
0xd: {  	[smem:$0x3FAF] =	sst s5  }
0xe: {  	[smem:$0x3FB0] =	sst s6  }
0xf: {  	[smem:$0x3FB1] =	sst s7  }
0x10: {  	[smem:$0x3FB2] =	sst s8  }
0x11: {  	[smem:$0x3FB3] =	sst s9;
	s0 =	simm.s32 @!p0 $0x0  }
0x12: {  	s1 =	sld [smem:$0x3F99];
	s0 =	simm.s32 @p0 $0x1  }
0x13: {  	[smem:$0x3FB4] =	sst s0;
	s0 =	simm.s32 @!p1 $0x0  }
0x14: {  	s2 =	sld [smem:$0x3F98];
	s0 =	simm.s32 @p1 $0x1  }
0x15: {  	[smem:$0x3FB5] =	sst s0;
	s0 =	simm.s32 @!p2 $0x0  }
0x16: {  	s3 =	sld [smem:$0x3FDB];
	s0 =	simm.s32 @p2 $0x1  }
0x17: {  	s4 =	simm.s32 $0x1BF5;
	[smem:$0x3FB7] =	sst s0  }
0x18: {  	s0 =	sld [smem:$0x3F9A];
	_ =	swait.ge [sflag:s4], $0x0  }
0x19: {  	s7 =	sld [smem:$0x3F9B]  }
0x1a: {  	s8 =	sadd.s32 $0xFFFFE003, lr  }
0x1b: {  	s9 =	sadd.s32 $0xFFFFFEF7, lr;
	s5 =	simm.s32 $0xFFFFFFFF;
	p2 =	slt.u32 s8, $0xFFFFF086  }
0x1c: {  	p1 =	slt.u32 s9, $0xF7A;
	s5 =	simm.s32 @!p2 $0x0  }
0x1d: {  	s5 =	simm.s32 @p1 $0x1;
	p0 =	seq.s32 s7, s2  }
0x1e: {  	s7 =	smul.u32 @!p0 $0xF7A, s2;
	p2 =	seq.s32 @!p0 s5, $0x0  }
0x1f: {  	s9 =	smul.u32 $0xF7A, s1;
	s8 =	simm.s32 @!p0 $0x1BF5;
	p2 =	por !p2, p0  }
0x20: {  	[sflag:s8] =	ssyncset.s32 @!p0 $0xFFFFF086;
	s6 =	sadd.s32 @!p0 s3, s7;
	s7 =	simm.s32 @!p0 $0x108  }
0x21: {  	s3 =	sadd.s32 s3, s9;
	s6 =	sadd.s32 @!p0 $0x88, s6;
	s7 =	simm.s32 @p2 $0x1082  }
0x22: {  	[simem:s7], [sflag:s8] =	dma.local @!p0 [hbm:s6], $0xF7A  }
0x23: {  	s9 =	sor.u32 $0xD0000000, s2;
	s6 =	simm.s32 $0x108;
	_ =	swait.ge @!p0 [sflag:s8], $0x0  }
0x24: {  	s3 =	sadd.s32 $0x88, s3;
	s6 =	simm.s32 @!p1 $0x1082;
	[sflag:s4] =	ssyncset.s32 $0xFFFFF086  }
0x25: {  	[simem:s6], [sflag:s4] =	dma.local [hbm:s3], $0xF7A  }
0x26: {  	[smem:$0x3F9B] =	sst s1;
	(tag) =	ssettag s2;
	_ =	strace s9  }
0x27: {  	s1 =	sld [smem:$0x3FAB]  }
0x28: {  	s2 =	sld [smem:$0x3FAC]  }
0x29: {  	s4 =	sld [smem:$0x3FAE]  }
0x2a: {  	p0 =	seq.s32 s5, $0x0;
	s5 =	sld [smem:$0x3FAF]  }
0x2b: {  	s6 =	sld [smem:$0x3FB0]  }
0x2c: {  	s7 =	sld [smem:$0x3FB1]  }
0x2d: {  	s3 =	simm.s32 $0x108;
	s8 =	sld [smem:$0x3FB2]  }
0x2e: {  	s3 =	simm.s32 @!p0 $0x1082;
	s9 =	sld [smem:$0x3FB3]  }
0x2f: {  	lr =	sadd.s32 s0, s3;
	s0 =	sld [smem:$0x3FAA]  }
0x30: {  	s3 =	sld [smem:$0x3FAD]  }
0x31: {  	[smem:$0x3FB6] =	sst s10  }
0x32: {  	s10 =	sld [smem:$0x3FB4];
	_ =	sdelay $0x3  }
0x33: {  	p0 =	seq.s32 s10, $0x1;
	s10 =	sld [smem:$0x3FB6];
	_ =	sdelay $0x3  }
0x34: {  	[smem:$0x3FB6] =	sst s10  }
0x35: {  	s10 =	sld [smem:$0x3FB5];
	_ =	sdelay $0x3  }
0x36: {  	p1 =	seq.s32 s10, $0x1;
	s10 =	sld [smem:$0x3FB6];
	_ =	sdelay $0x3  }
0x37: {  	[smem:$0x3FB6] =	sst s10  }
0x38: {  	s10 =	sld [smem:$0x3FB7]  }
0x39: {  	_ = 	snop;
	(pc) =	sbr.ind lr, $3  }
0x3a: {  	_ = 	snop  }
0x3b: {  	_ = 	snop  }
0x3c: {  	p2 =	seq.s32 s10, $0x1;
	s10 =	sld [smem:$0x3FB6]  }
0x3d: {  	_ =	shalt  }
0x3e: {  	_ =	shalt  }
0x3f: {  	_ =	shalt  }
0x40: {  	_ =	shalt  }
0x41: {  	_ =	shalt  }
0x42: {  	_ =	shalt  }
0x43: {  	_ =	shalt  }
0x44: {  	_ =	shalt  }
0x45: {  	_ =	shalt  }
0x46: {  	_ =	shalt  }
0x47: {  	_ =	shalt  }
0x48: {  	_ =	shalt  }
0x49: {  	_ =	shalt  }
0x4a: {  	_ =	shalt  }
0x4b: {  	_ =	shalt  }
0x4c: {  	_ =	shalt  }
0x4d: {  	_ =	shalt  }
0x4e: {  	_ =	shalt  }
0x4f: {  	_ =	shalt  }
0x50: {  	_ =	shalt  }
0x51: {  	_ =	shalt  }
0x52: {  	_ =	shalt  }
0x53: {  	_ =	shalt  }
0x54: {  	_ =	shalt  }
0x55: {  	_ =	shalt  }
0x56: {  	_ =	shalt  }
0x57: {  	_ =	shalt  }
0x58: {  	_ =	shalt  }
0x59: {  	_ =	shalt  }
0x5a: {  	_ =	shalt  }
0x5b: {  	_ =	shalt  }
0x5c: {  	_ =	shalt  }
0x5d: {  	_ =	shalt  }
0x5e: {  	_ =	shalt  }
0x5f: {  	_ =	shalt  }
0x60: {  	_ =	shalt  }
0x61: {  	_ =	shalt  }
0x62: {  	_ =	shalt  }
0x63: {  	_ =	shalt  }
0x64: {  	_ =	shalt  }
0x65: {  	_ =	shalt  }
0x66: {  	_ =	shalt  }
0x67: {  	_ =	shalt  }
0x68: {  	_ =	shalt  }
0x69: {  	_ =	shalt  }
0x6a: {  	_ =	shalt  }
0x6b: {  	_ =	shalt  }
0x6c: {  	_ =	shalt  }
0x6d: {  	_ =	shalt  }
0x6e: {  	_ =	shalt  }
0x6f: {  	_ =	shalt  }
0x70: {  	_ =	shalt  }
0x71: {  	_ =	shalt  }
0x72: {  	_ =	shalt  }
0x73: {  	_ =	shalt  }
0x74: {  	_ =	shalt  }
0x75: {  	_ =	shalt  }
0x76: {  	_ =	shalt  }
0x77: {  	_ =	shalt  }
0x78: {  	_ =	shalt  }
0x79: {  	_ =	shalt  }
0x7a: {  	_ =	shalt  }
0x7b: {  	_ =	shalt  }
0x7c: {  	_ =	shalt  }
0x7d: {  	_ =	shalt  }
0x7e: {  	_ =	shalt  }
0x7f: {  	_ =	shalt  }
0x80: {  	_ =	shalt  }
0x81: {  	_ =	shalt  }
0x82: {  	_ =	shalt  }
0x83: {  	_ =	shalt  }
0x84: {  	_ =	shalt  }
0x85: {  	_ =	shalt  }
0x86: {  	_ =	shalt  }
0x87: {  	_ =	shalt  }
.Lfunc_end0:
.L_simem_size_0:
called_computation_lowered:
.L_overlay_start_0:
0x88: {  	s2 =	sld [smem:$0x3FD9]  }
0x89: {  	s3 =	sld [smem:$0x3FFE];
	_ =	sdelay $0x1  }
0x8a: {  	s1 =	srdreg.scid  }
0x8b: {  	s0 =	sand.u32 $0x1, s1  }
0x8c: {  	s16 =	sshll.u32 s0, $0xA;
	s2 =	sadd.s32 s3, s2  }
0x8d: {  	s2 =	sadd.s32 s2, s16  }
0x8e: {  	[smem:$0x3FC2] =	sst s2  }
0x8f: {  	_ = 	snop  }
0x90: {  	(tm) =	ssettm $0x1  }
0x91: {  	s17 =	sld [smem:$0x3FFB];
	_ =	sdelay $0x3  }
0x92: {  	_ =	strace s17  }
0x93: {  	s2 =	sld [smem:$0x3FFC];
	_ =	sdelay $0x3  }
0x94: {  	_ =	strace s2  }
0x95: {  	s2 =	sld [smem:$0x3FFD];
	_ =	sdelay $0x3  }
0x96: {  	_ =	strace s2  }
0x97: {  	_ =	strace $0x8FFFFFFF  }
0x98: {  	s18 =	sld [smem:$0x3FDB];
	_ =	sdelay $0x1  }
0x99: {  	s19 =	simm.s32 $_scs_section_size  }
0x9a: {  	s4 =	simm.s32 $_size__tile_overlayer_lowered;
	s5 =	simm.s32 $_tile_overlayer_lowered  }
0x9b: {  	s22 =	simm.s32 $0x1BFF;
	s21 =	sshll.u32 s5, $0x1;
	s2 =	sadd.s32 s19, s18  }
0x9c: {  	s6 =	simm.s32 $0x0;
	s20 =	sshll.u32 s4, $0x1;
	s4 =	sadd.s32 s21, s2  }
0x9d: {  	[timem:s6], [sflag:s22] =	dma.local [hbm:s4], s20  }
0x9e: {  	_ =	swait.ge [sflag:s22], s20  }
0x9f: {  	s3 =	ssub.s32 $0x0, s20;
	[sflag:s22] =	ssyncset.done $0x0  }
0xa0: {  	[sflag:s22] =	ssyncadd.s32 s3;
	_ =	sdelay $0x1  }
0xa1: {  	s23 =	simm.s32 $0x1B8B  }
0xa2: {  	_ =	swait.ge [sflag:s23], $0x1  }
0xa3: {  	[sflag:s23] =	ssyncset.done $0x0  }
0xa4: {  	s25 =	simm.s32 $0x1B8E;
	s24 =	sld [smem:$0x3FFE];
	[sflag:s23] =	ssyncadd.s32 $0xFFFFFFFF  }
0xa5: {  	s26 =	simm.s32 $execute0_lowered;
	[smem:$0x3FD2] =	sst s25  }
0xa6: {  	s4 =	sshll.u32 s26, $0x1;
	_ =	strace $0x80000046;
	[dreg:$0x1] =	wrdreg $0xFFFFFFFF  }
0xa7: {  	s28 =	simm.s32 $_size_execute0_lowered;
	s2 =	sadd.s32 s2, s4;
	[dreg:$0x0] =	wrdreg $0x0  }
0xa8: {  	s4 =	sshll.u32 s28, $0x1;
	[dreg:$0x2] =	wrdreg s2  }
0xa9: {  	[dreg:$0x3] =	wrdreg s4  }
0xaa: {  	[dreg:$0x4] =	wrdreg $0xC0  }
0xab: {  	_ =	task [dreg:s6], $0x5FFFF  }
0xac: {  	[dreg:$0x1] =	wrdreg $0xFFFFFFFF  }
0xad: {  	[dreg:$0x0] =	wrdreg $0x60  }
0xae: {  	[dreg:$0x2] =	wrdreg s24  }
0xaf: {  	[dreg:$0x3] =	wrdreg $0x0  }
0xb0: {  	[dreg:$0x4] =	wrdreg $0x9  }
0xb1: {  	_ =	task.clear_ibuf [dreg:s6], $0x5FFFF;
	_ =	strace $0x90000046  }
0xb2: {  	s29 =	simm.s32 $0x9;
	_ =	strace $0x80000048  }
0xb3: {  	_ =	swait.ge [sflag:s29], $0x1  }
0xb4: {  	[sflag:s29] =	ssyncadd.s32 $0xFFFFFFFF  }
0xb5: {  	_ =	strace $0x90000048  }
0xb6: {  	_ =	sfence  }
0xb7: {  	s30 =	sld [smem:$0x0];
	_ =	sdelay $0x2  }
0xb8: {  	s31 =	sshll.u32 s1, $0xD;
	s1 =	sshrl.u32 s1, $0x2  }
0xb9: {  	s3 =	sand.u32 $0x4000, s31;
	s1 =	sadd.s32 s1, s30  }
0xba: {  	s0 =	sor.u32 s3, s0;
	s1 =	sshll.u32 s1, $0x11  }
0xbb: {  	s0 =	sor.u32 s1, s0  }
0xbc: {  	s0 =	sadd.s32 $0x8F2B, s0  }
0xbd: {  	[sflag:s0] =	ssyncadd.remote.s32 $0x1  }
0xbe: {  	_ =	sfence.sel $0xFFFF  }
0xbf: {  	[dreg:$0x0] =	wrdreg $0xFFFFFFFF;
	(pc) =	sbr.abs _section_cstart, $3  }
0xc0: {  	[dreg:$0x1] =	wrdreg $0xFFFFFFFF  }
0xc1: {  	_ =	task.clear_ibuf [dreg:s6], $0x2FFFF;
	_ =	strace $0x9FFFFFFF  }
0xc2: {  	(tm) =	ssettm $0x7FFFFFFF  }
0xc3: {  	_ =	shalt  }
tec
execute0_lowered:
.L_overlay_start_1:
0x0: {  	(tag) =	ssettag $0x1  }
0x1: {  	s0 =	srdreg.scid  }
0x2: {  	s31 =	sand.u32 $0x1, s0  }
0x3: {  	s26 =	stileid.u32;
	s1 =	sshll.u32 s31, $0x4  }
0x4: {  	s1 =	sor.u32 s26, s1  }
0x5: {  	s30 =	rddreg [dreg:$0x0];
	s1 =	smul.u32 $0x271, s1  }
0x6: {  	s2 =	rddreg [dreg:$0x1];
	s3 =	simm.s32 $0x0  }
0x7: {  	s6 =	simm.s32 $0x13C0;
	[smem:$0x7FF] =	sst s3;
	s4 =	sadd.s32 s1, s30  }
0x8: {  	s5 =	simm.s32 $0x3;
	_ =	strace $0x80000047;
	s4 =	sadd.s32 $0x3E00, s4  }
0x9: {  	[tilespmem:s6], [sflag:$0x3] =	stream.linear.gather [hbm4b:s4+s3], $0x1388, $0x38;
	[tilespmem:$0xD710] =	vst v63  }
0xa: {  	_ =	swait.ge [sflag:s5], $0x1388  }
0xb: {  	s8 =	simm.s32 $0x2748;
	s7 =	sadd.s32 $0x8C20, s30;
	[sflag:s5] =	ssyncset.done $0x0  }
0xc: {  	s10 =	smul.u32 $0x13C0, s26;
	s7 =	sadd.s32 s1, s7;
	[sflag:s5] =	ssyncadd.s32 $0xFFFFEC78  }
0xd: {  	[tilespmem:s8], [sflag:$0x3] =	stream.linear.gather [hbm4b:s7+s3], $0x1388, $0x38;
	[tilespmem:$0xD710] =	vst v63  }
0xe: {  	s11 =	simm.s32 $0x3AD0;
	s13 =	simm.s32 $0x17A8;
	_ =	swait.ge [sflag:s5], $0x1388  }
0xf: {  	s9 =	sadd.s32 $0x1600, s30;
	s22 =	sadd.s32 s10, s2;
	[sflag:s5] =	ssyncset.done $0x0  }
0x10: {  	s1 =	sshrl.u32 s10, $0x3;
	s10 =	simm.s32 $0x3E8;
	[sflag:s5] =	ssyncadd.s32 $0xFFFFEC78  }
0x11: {  	[tilespmem:s11], [sflag:$0x1] =	stream.indirect.gather [hbm4b:s9+s10], $0x8, s6, s10, $0xb8;
	[tilespmem:$0xD710] =	vst v63  }
0x12: {  	s14 =	simm.s32 $0x5A10;
	s15 =	simm.s32 $0x1B90;
	s16 =	simm.s32 $0x7950  }
0x13: {  	[tilespmem:s14], [sflag:$0x1] =	stream.indirect.gather [hbm4b:s9+s10], $0x8, s13, s10, $0xb8;
	[tilespmem:$0xD710] =	vst v63  }
0x14: {  	s17 =	simm.s32 $0x1F78;
	s18 =	simm.s32 $0x9890;
	s19 =	simm.s32 $0x2360  }
0x15: {  	[tilespmem:s16], [sflag:$0x1] =	stream.indirect.gather [hbm4b:s9+s10], $0x8, s15, s10, $0xb8;
	[tilespmem:$0xD710] =	vst v63  }
0x16: {  	s20 =	simm.s32 $0xB7D0;
	s21 =	sshll.u32 s26, $0x6;
	s12 =	sadd.s32 s1, s30  }
0x17: {  	[tilespmem:s18], [sflag:$0x1] =	stream.indirect.gather [hbm4b:s9+s10], $0x8, s17, s10, $0xb8;
	[tilespmem:$0xD710] =	vst v63  }
0x18: {  	s21 =	sor.u32 $0x1C03, s21;
	s22 =	sshrl.u32 s22, $0x3;
	s12 =	sadd.s32 $0xDC00, s12  }
0x19: {  	[tilespmem:s20], [sflag:$0x1] =	stream.indirect.gather [hbm4b:s9+s10], $0x8, s19, s10, $0xb8;
	[tilespmem:$0xD710] =	vst v63  }
0x1a: {  	[spmem:s22], [sflag:s21] =	dma.local [hbm:s12], $0x278  }
0x1b: {  	_ =	swait.ge [sflag:s5], $0x278  }
0x1c: {  	[sflag:s5] =	ssyncset.done $0x0  }
0x1d: {  	[sflag:s5] =	ssyncadd.s32 $0xFFFFFD88  }
0x1e: {  	s23 =	simm.s32 $0x1;
	[bflag:$0x0] =	sbarrier.arrive $0xFFFF  }
0x1f: {  	_ =	swait.ge [sflag:s23], $0x1F40  }
0x20: {  	[sflag:s23] =	ssyncset.done $0x0  }
0x21: {  	[sflag:s23] =	ssyncadd.s32 $0xFFFFE0C0  }
0x22: {  	[spmem:s2] =	stream.indirect.scatter.add.f32 [tilespmem:s11], [sflag:$0x2], $0x8, s8, s10, $0xb8;
	[tilespmem:$0xD710] =	vst v63  }
0x23: {  	_ =	swait.ge [sflag:s23], $0x1F40  }
0x24: {  	[sflag:s23] =	ssyncset.done $0x0  }
0x25: {  	s24 =	simm.s32 $0x2B30;
	[sflag:s23] =	ssyncadd.s32 $0xFFFFE0C0  }
0x26: {  	[spmem:s2] =	stream.indirect.scatter.add.f32 [tilespmem:s14], [sflag:$0x2], $0x8, s24, s10, $0xb8;
	[tilespmem:$0xD710] =	vst v63  }
0x27: {  	_ =	swait.ge [sflag:s23], $0x1F40  }
0x28: {  	[sflag:s23] =	ssyncset.done $0x0  }
0x29: {  	s25 =	simm.s32 $0x2F18;
	[sflag:s23] =	ssyncadd.s32 $0xFFFFE0C0  }
0x2a: {  	[spmem:s2] =	stream.indirect.scatter.add.f32 [tilespmem:s16], [sflag:$0x2], $0x8, s25, s10, $0xb8;
	[tilespmem:$0xD710] =	vst v63  }
0x2b: {  	_ =	swait.ge [sflag:s23], $0x1F40  }
0x2c: {  	[sflag:s23] =	ssyncset.done $0x0  }
0x2d: {  	s26 =	simm.s32 $0x3300;
	[sflag:s23] =	ssyncadd.s32 $0xFFFFE0C0  }
0x2e: {  	[spmem:s2] =	stream.indirect.scatter.add.f32 [tilespmem:s18], [sflag:$0x2], $0x8, s26, s10, $0xb8;
	[tilespmem:$0xD710] =	vst v63  }
0x2f: {  	_ =	swait.ge [sflag:s23], $0x1F40  }
0x30: {  	[sflag:s23] =	ssyncset.done $0x0  }
0x31: {  	s28 =	simm.s32 $0x36E8;
	s29 =	simm.s32 $0x2;
	[sflag:s23] =	ssyncadd.s32 $0xFFFFE0C0  }
0x32: {  	[spmem:s2] =	stream.indirect.scatter.add.f32 [tilespmem:s20], [sflag:$0x2], $0x8, s28, s10, $0xb8;
	[tilespmem:$0xD710] =	vst v63  }
0x33: {  	_ =	swait.ge [sflag:s29], $0x1F40  }
0x34: {  	[sflag:s29] =	ssyncset.done $0x0  }
0x35: {  	[sflag:s29] =	ssyncadd.s32 $0xFFFFE0C0  }
0x36: {  	_ =	swait.ge [sflag:s29], $0x1F40  }
0x37: {  	[sflag:s29] =	ssyncset.done $0x0  }
0x38: {  	[sflag:s29] =	ssyncadd.s32 $0xFFFFE0C0  }
0x39: {  	_ =	swait.ge [sflag:s29], $0x1F40  }
0x3a: {  	[sflag:s29] =	ssyncset.done $0x0  }
0x3b: {  	s0 =	smul.u32 $0x2780, s31;
	[sflag:s29] =	ssyncadd.s32 $0xFFFFE0C0  }
0x3c: {  	s31 =	ssub.s32 $0x2, s31;
	_ =	swait.ge [sflag:s29], $0x1F40  }
0x3d: {  	s0 =	sadd.s32 s0, s30;
	s30 =	sshrl.u32 s31, $0x1;
	[sflag:s29] =	ssyncset.done $0x0  }
0x3e: {  	s0 =	sadd.s32 $0x10400, s0;
	s31 =	ssub.s32 s31, s30;
	[sflag:s29] =	ssyncadd.s32 $0xFFFFE0C0  }
0x3f: {  	s30 =	sadd.s32 s1, s0;
	s1 =	smax.u32 s31, $0x1;
	_ =	swait.ge [sflag:s29], $0x1F40  }
0x40: {  	p0 =	sne.s32 s1, $0x1;
	[sflag:s29] =	ssyncset.done $0x0  }
.Ltmp0:
0x41: {  	[sflag:s29] =	ssyncadd.s32 $0xFFFFE0C0;
	(pc) =	sbr.rel @!p0 .LBB2_2-.Ltmp0, $4  }
0x42: {  	[bflag:$0x0] =	sbarrier.arrive $0xFFFF  }
0x43: {  	[hbm:s30], [sflag:s21] =	dma.local [spmem:s22], $0x278  }
0x44: {  	_ =	swait.ge [sflag:s5], $0x278  }
0x45: {  	s31 =	sadd.s32 $0xFFFFFFFF, s1;
	[sflag:s5] =	ssyncset.done $0x0  }
.LBB2_1:
0x46: {  	p0 =	sne.s32 s31, $0x1;
	s31 =	sadd.s32 $0xFFFFFFFF, s31;
	[sflag:s5] =	ssyncadd.s32 $0xFFFFFD88  }
0x47: {  	[tilespmem:s6], [sflag:$0x3] =	stream.linear.gather [hbm4b:s4+s3], $0x1388, $0x38;
	[tilespmem:$0xD710] =	vst v63  }
0x48: {  	_ =	swait.ge [sflag:s5], $0x1388  }
0x49: {  	[sflag:s5] =	ssyncset.done $0x0  }
0x4a: {  	[sflag:s5] =	ssyncadd.s32 $0xFFFFEC78  }
0x4b: {  	[tilespmem:s8], [sflag:$0x3] =	stream.linear.gather [hbm4b:s7+s3], $0x1388, $0x38;
	[tilespmem:$0xD710] =	vst v63  }
0x4c: {  	_ =	swait.ge [sflag:s5], $0x1388  }
0x4d: {  	[sflag:s5] =	ssyncset.done $0x0  }
0x4e: {  	[sflag:s5] =	ssyncadd.s32 $0xFFFFEC78  }
0x4f: {  	[tilespmem:s11], [sflag:$0x1] =	stream.indirect.gather [hbm4b:s9+s10], $0x8, s6, s10, $0xb8;
	[tilespmem:$0xD710] =	vst v63  }
0x50: {  	_ = 	snop  }
0x51: {  	[tilespmem:s14], [sflag:$0x1] =	stream.indirect.gather [hbm4b:s9+s10], $0x8, s13, s10, $0xb8;
	[tilespmem:$0xD710] =	vst v63  }
0x52: {  	_ = 	snop  }
0x53: {  	[tilespmem:s16], [sflag:$0x1] =	stream.indirect.gather [hbm4b:s9+s10], $0x8, s15, s10, $0xb8;
	[tilespmem:$0xD710] =	vst v63  }
0x54: {  	_ = 	snop  }
0x55: {  	[tilespmem:s18], [sflag:$0x1] =	stream.indirect.gather [hbm4b:s9+s10], $0x8, s17, s10, $0xb8;
	[tilespmem:$0xD710] =	vst v63  }
0x56: {  	_ = 	snop  }
0x57: {  	[tilespmem:s20], [sflag:$0x1] =	stream.indirect.gather [hbm4b:s9+s10], $0x8, s19, s10, $0xb8;
	[tilespmem:$0xD710] =	vst v63  }
0x58: {  	[spmem:s22], [sflag:s21] =	dma.local [hbm:s12], $0x278  }
0x59: {  	_ =	swait.ge [sflag:s5], $0x278  }
0x5a: {  	[sflag:s5] =	ssyncset.done $0x0  }
0x5b: {  	[sflag:s5] =	ssyncadd.s32 $0xFFFFFD88  }
0x5c: {  	[bflag:$0x0] =	sbarrier.arrive $0xFFFF  }
0x5d: {  	_ =	swait.ge [sflag:s23], $0x1F40  }
0x5e: {  	[sflag:s23] =	ssyncset.done $0x0  }
0x5f: {  	[sflag:s23] =	ssyncadd.s32 $0xFFFFE0C0  }
0x60: {  	[spmem:s2] =	stream.indirect.scatter.add.f32 [tilespmem:s11], [sflag:$0x2], $0x8, s8, s10, $0xb8;
	[tilespmem:$0xD710] =	vst v63  }
0x61: {  	_ =	swait.ge [sflag:s23], $0x1F40  }
0x62: {  	[sflag:s23] =	ssyncset.done $0x0  }
0x63: {  	[sflag:s23] =	ssyncadd.s32 $0xFFFFE0C0  }
0x64: {  	[spmem:s2] =	stream.indirect.scatter.add.f32 [tilespmem:s14], [sflag:$0x2], $0x8, s24, s10, $0xb8;
	[tilespmem:$0xD710] =	vst v63  }
0x65: {  	_ =	swait.ge [sflag:s23], $0x1F40  }
0x66: {  	[sflag:s23] =	ssyncset.done $0x0  }
0x67: {  	[sflag:s23] =	ssyncadd.s32 $0xFFFFE0C0  }
0x68: {  	[spmem:s2] =	stream.indirect.scatter.add.f32 [tilespmem:s16], [sflag:$0x2], $0x8, s25, s10, $0xb8;
	[tilespmem:$0xD710] =	vst v63  }
0x69: {  	_ =	swait.ge [sflag:s23], $0x1F40  }
0x6a: {  	[sflag:s23] =	ssyncset.done $0x0  }
0x6b: {  	[sflag:s23] =	ssyncadd.s32 $0xFFFFE0C0  }
0x6c: {  	[spmem:s2] =	stream.indirect.scatter.add.f32 [tilespmem:s18], [sflag:$0x2], $0x8, s26, s10, $0xb8;
	[tilespmem:$0xD710] =	vst v63  }
0x6d: {  	_ =	swait.ge [sflag:s23], $0x1F40  }
0x6e: {  	[sflag:s23] =	ssyncset.done $0x0  }
0x6f: {  	[sflag:s23] =	ssyncadd.s32 $0xFFFFE0C0  }
0x70: {  	[spmem:s2] =	stream.indirect.scatter.add.f32 [tilespmem:s20], [sflag:$0x2], $0x8, s28, s10, $0xb8;
	[tilespmem:$0xD710] =	vst v63  }
0x71: {  	_ =	swait.ge [sflag:s29], $0x1F40  }
0x72: {  	[sflag:s29] =	ssyncset.done $0x0  }
0x73: {  	[sflag:s29] =	ssyncadd.s32 $0xFFFFE0C0  }
0x74: {  	_ =	swait.ge [sflag:s29], $0x1F40  }
0x75: {  	[sflag:s29] =	ssyncset.done $0x0  }
0x76: {  	[sflag:s29] =	ssyncadd.s32 $0xFFFFE0C0  }
0x77: {  	_ =	swait.ge [sflag:s29], $0x1F40  }
0x78: {  	[sflag:s29] =	ssyncset.done $0x0  }
0x79: {  	[sflag:s29] =	ssyncadd.s32 $0xFFFFE0C0  }
0x7a: {  	_ =	swait.ge [sflag:s29], $0x1F40  }
0x7b: {  	[sflag:s29] =	ssyncset.done $0x0  }
0x7c: {  	[sflag:s29] =	ssyncadd.s32 $0xFFFFE0C0  }
0x7d: {  	_ =	swait.ge [sflag:s29], $0x1F40  }
0x7e: {  	[sflag:s29] =	ssyncset.done $0x0  }
.Ltmp1:
0x7f: {  	[sflag:s29] =	ssyncadd.s32 $0xFFFFE0C0;
	(pc) =	sbr.rel @p0 .LBB2_1-.Ltmp1, $4  }
0x80: {  	[bflag:$0x0] =	sbarrier.arrive $0xFFFF  }
0x81: {  	[hbm:s30], [sflag:s21] =	dma.local [spmem:s22], $0x278  }
0x82: {  	_ =	swait.ge [sflag:s5], $0x278  }
0x83: {  	[sflag:s5] =	ssyncset.done $0x0  }
.LBB2_2:
0x84: {  	[sflag:s5] =	ssyncadd.s32 $0xFFFFFD88  }
0x85: {  	_ =	sfence.sel $0x180000  }
0x86: {  	[bflag:$0x0] =	sbarrier.arrive $0xFFFF  }
0x87: {  	_ =	strace $0x90000047  }
0x88: {  	s0 =	stileid.u32;
	[bflag:$0x2] =	sbarrier.arrive $0xFFFF  }
0x89: {  	p0 =	sne.s32 s0, $0x0;
	s0 =	rddreg [dreg:$0x2]  }
0x8a: {  	s0 =	sadd.s32 @!p0 $0x100000, s0  }
0x8b: {  	[sflag:s0] =	ssyncadd.tile.s32 @!p0 $0x1;
	_ =	shalt  }
.Lfunc_end2:
_tile_overlayer_lowered:
.L_overlay_start_2:
0x8c: {  	(tag) =	ssettag $0x2  }
0x8d: {  	s0 =	rddreg [dreg:$0x0];
	s2 =	stileid.u32  }
0x8e: {  	s1 =	rddreg [dreg:$0x1];
	p0 =	sne.s32 s2, $0x0  }
0x8f: {  	s3 =	rddreg [dreg:$0x2];
	[bflag:$0x3] =	sbarrier.arrive $0xFFFF;
	s2 =	simm.s32 @!p0 $0x1C03  }
0x90: {  	[timem:s3], [sflag:s2] =	dma.local @!p0 [hbm:s0], s1  }
0x91: {  	s0 =	simm.s32 @!p0 $0x3  }
0x92: {  	_ =	swait.ge @!p0 [sflag:s0], s1  }
0x93: {  	s1 =	ssub.s32 @!p0 $0x0, s1;
	[sflag:s0] =	ssyncset.done @!p0 $0x0  }
0x94: {  	[sflag:s0] =	ssyncadd.s32 @!p0 s1  }
0x95: {  	[bflag:$0x3] =	sbarrier.arrive $0xFFFF  }
0x96: {  	_ =	shalt  }

</sc_bundles>
